<compile_context>
chip_gen: v7x
topology: tpu7x:2x2x1
jax: 0.10.2.dev20260603
libtpu: 0.0.44.dev20260713+nightly
codegen_flags: <defaults>
</compile_context>

<pallas_src>
import functools

import jax
import jax.numpy as jnp
from jax import lax
from jax.experimental import pallas as pl
from jax.experimental.pallas import tpu as pltpu
from jax.experimental.pallas import tpu_sc as plsc

_CHUNK = 128
_NBUF = 3


@functools.lru_cache(maxsize=None)
def _emb_lookup(B: int, D: int):
    info = plsc.get_sparse_core_info()
    NW = info.num_cores * info.num_subcores
    b_per_w = B // NW
    n_chunks = b_per_w // _CHUNK
    assert b_per_w * NW == B and n_chunks * _CHUNK == b_per_w
    n_tail = n_chunks % _NBUF
    n_blocks = n_chunks // _NBUF

    mesh = plsc.VectorSubcoreMesh(core_axis_name="c", subcore_axis_name="s")

    @functools.partial(
        pl.kernel,
        mesh=mesh,
        out_type=jax.ShapeDtypeStruct((B, D), jnp.float32),
        scratch_types=[
            pltpu.VMEM((b_per_w,), jnp.int32),
            pltpu.VMEM((_CHUNK, D), jnp.float32),
            pltpu.VMEM((_CHUNK, D), jnp.float32),
            pltpu.VMEM((_CHUNK, D), jnp.float32),
            pltpu.SemaphoreType.DMA,
            pltpu.SemaphoreType.DMA,
            pltpu.SemaphoreType.DMA,
            pltpu.SemaphoreType.DMA,
            pltpu.SemaphoreType.DMA,
            pltpu.SemaphoreType.DMA,
        ],
    )
    def k(idx_hbm, table_hbm, out_hbm, idx_v, r0, r1, r2, g0, g1, g2, s0, s1, s2):
        rows = (r0, r1, r2)
        gsem = (g0, g1, g2)
        ssem = (s0, s1, s2)
        wid = lax.axis_index("s") * info.num_cores + lax.axis_index("c")
        base = wid * b_per_w

        def gather(j, b):
            pltpu.async_copy(
                table_hbm.at[idx_v.at[pl.ds(j * _CHUNK, _CHUNK)]], rows[b], gsem[b]
            )

        def gather_wait(b):
            pltpu.make_async_copy(
                table_hbm.at[idx_v.at[pl.ds(0, _CHUNK)]], rows[b], gsem[b]
            ).wait()

        def store(j, b):
            pltpu.async_copy(
                rows[b], out_hbm.at[pl.ds(base + j * _CHUNK, _CHUNK)], ssem[b]
            )

        def store_wait(b):
            pltpu.make_async_copy(
                rows[b], out_hbm.at[pl.ds(base, _CHUNK)], ssem[b]
            ).wait()

        def step(j, b, first):
            gather_wait(b)
            store(j, b)
            bn = (b + 2) % _NBUF
            if first:
                @pl.when(j > 0)
                def _():
                    store_wait(bn)
            else:
                store_wait(bn)
            gather(jnp.minimum(j + 2, n_chunks - 1), bn)

        pltpu.sync_copy(idx_hbm.at[pl.ds(base, b_per_w)], idx_v)
        gather(0, 0)
        gather(1, 1)

        def body(j0, carry):
            for b in range(_NBUF):
                step(j0 * _NBUF + b, b, first=True)
            return carry

        lax.fori_loop(0, n_blocks, body, 0)
        for t in range(n_tail):
            j = n_blocks * _NBUF + t
            step(jnp.int32(j), j % _NBUF, first=False)
        store_wait((n_chunks - 1) % _NBUF)
        gather_wait(n_chunks % _NBUF)
        gather_wait((n_chunks + 1) % _NBUF)

    return k


def kernel(x, table):
    S0, S1 = x.shape
    V, D = table.shape
    flat = x.reshape(S0 * S1).astype(jnp.int32)
    out = _emb_lookup(S0 * S1, D)(flat, table)
    return out.reshape(S0, S1, D)

# --- scband reference (transcript-rebuilt; emitter-appended) ---
"""Pipeline reference for scband-embedding-49701361549373 (READ-ONLY COPY).

The authoritative reference and input builder live on the scoring server;
editing this copy changes nothing except your own understanding.
"""

import jax, jax.numpy as jnp
import numpy as np

VOCAB = 52000
WIDTH = 256

def setup_inputs(seed: int = 0) -> dict:
    key = jax.random.key(seed)
    k1, k2 = jax.random.split(key)
    x = jax.random.randint(k1, (4096, 200), 0, VOCAB, dtype=jnp.int64) if jax.config.jax_enable_x64 else jax.random.randint(k1, (4096, 200), 0, VOCAB, dtype=jnp.int32)
    table = jax.random.normal(k2, (VOCAB, WIDTH), dtype=jnp.float32)
    return {"x": x, "table": table}

def reference(x, table):
    # Faithful translation of nn.Embedding forward: row gather from the table.
    return jnp.take(table, x, axis=0)

if __name__ == "__main__":
    import jax
    _d = setup_inputs()
    print(jax.jit(kernel)(*tuple(_d.values())))

</pallas_src>

<mosaic_0001>
#map = affine_map<(d0, d1) -> (0)>
#map1 = affine_map<(d0, d1) -> (0, 0)>
module attributes {stable_mosaic.version = 14 : i64} {
  func.func @k(%arg0: i32, %arg1: i32, %arg2: memref<819200xi32, #tpu.memory_space<hbm>>, %arg3: memref<52000x256xf32, #tpu.memory_space<hbm>>, %arg4: memref<819200x256xf32, #tpu.memory_space<hbm>>, %arg5: memref<25600xi32, #tpu.memory_space<vmem>>, %arg6: memref<128x256xf32, #tpu.memory_space<vmem>>, %arg7: memref<128x256xf32, #tpu.memory_space<vmem>>, %arg8: memref<128x256xf32, #tpu.memory_space<vmem>>, %arg9: memref<!tpu.dma_semaphore, #tpu.memory_space<semaphore_mem>>, %arg10: memref<!tpu.dma_semaphore, #tpu.memory_space<semaphore_mem>>, %arg11: memref<!tpu.dma_semaphore, #tpu.memory_space<semaphore_mem>>, %arg12: memref<!tpu.dma_semaphore, #tpu.memory_space<semaphore_mem>>, %arg13: memref<!tpu.dma_semaphore, #tpu.memory_space<semaphore_mem>>, %arg14: memref<!tpu.dma_semaphore, #tpu.memory_space<semaphore_mem>>) attributes {dimension_semantics = [#tpu.dimension_semantics<core_parallel>, #tpu.dimension_semantics<subcore_parallel>], iteration_bounds = array<i64: 2, 16>, scalar_prefetch = 0 : i64, scratch_operands = 10 : i64, tpu.core_type = #tpu.core_type<sc_vector_subcore>, window_params = [{transform_indices = #map}, {transform_indices = #map1}, {transform_indices = #map1}]} {
    %mul3A = arith.constant 2 : i32
    %mul3A_0 = arith.muli %arg1, %mul3A : i32
    %add3A = arith.addi %mul3A_0, %arg0 : i32
    %mul3A_1 = arith.constant 25600 : i32
    %mul3A_2 = arith.muli %add3A, %mul3A_1 : i32
    "tpu.region"() ({
      %run_scoped3A = tpu.sem_alloc : memref<!tpu.dma_semaphore, #tpu.memory_space<semaphore_mem>>
      %dma_start3A_85 = tpu.memref_slice %arg2[%mul3A_2] : memref<819200xi32, #tpu.memory_space<hbm>> -> memref<25600xi32, #tpu.memory_space<hbm>>
      %dma_start3A_86 = tpu.memref_slice %arg2[%mul3A_2] : memref<819200xi32, #tpu.memory_space<hbm>> -> memref<25600xi32, #tpu.memory_space<hbm>>
      tpu.enqueue_dma source(%dma_start3A_86 : memref<25600xi32, #tpu.memory_space<hbm>>) target(%arg5 : memref<25600xi32, #tpu.memory_space<vmem>>) target_semaphore(%run_scoped3A : memref<!tpu.dma_semaphore, #tpu.memory_space<semaphore_mem>>)
      %dma_wait3A_87 = tpu.memref_slice %arg2[%mul3A_2] : memref<819200xi32, #tpu.memory_space<hbm>> -> memref<25600xi32, #tpu.memory_space<hbm>>
      %dma_wait3A_88 = tpu.memref_slice %arg2[%mul3A_2] : memref<819200xi32, #tpu.memory_space<hbm>> -> memref<25600xi32, #tpu.memory_space<hbm>>
      tpu.wait_dma2 semaphore(%run_scoped3A : memref<!tpu.dma_semaphore, #tpu.memory_space<semaphore_mem>>) src(%dma_wait3A_88 : memref<25600xi32, #tpu.memory_space<hbm>>) dst(%arg5 : memref<25600xi32, #tpu.memory_space<vmem>>)
      tpu.yield
    }) : () -> ()
    %dma_start3A = arith.constant 0 : i32
    %dma_start3A_3 = tpu.memref_slice %arg5[%dma_start3A] : memref<25600xi32, #tpu.memory_space<vmem>> -> memref<128xi32, #tpu.memory_space<vmem>>
    %dma_start3A_4 = arith.constant 0 : i32
    %dma_start3A_5 = arith.constant 0 : i32
    %dma_start3A_6 = tpu.memref_slice %arg3[%dma_start3A_4, %dma_start3A_5] : memref<52000x256xf32, #tpu.memory_space<hbm>> -> memref<52000x256xf32, #tpu.memory_space<hbm>>
    tpu.enqueue_indirect_dma source(%dma_start3A_6 : memref<52000x256xf32, #tpu.memory_space<hbm>>) target(%arg6 : memref<128x256xf32, #tpu.memory_space<vmem>>) offsets(%dma_start3A_3 : memref<128xi32, #tpu.memory_space<vmem>>) semaphore(%arg9 : memref<!tpu.dma_semaphore, #tpu.memory_space<semaphore_mem>>)
    %dma_start3A_7 = arith.constant 128 : i32
    %dma_start3A_8 = tpu.memref_slice %arg5[%dma_start3A_7] : memref<25600xi32, #tpu.memory_space<vmem>> -> memref<128xi32, #tpu.memory_space<vmem>>
    %dma_start3A_9 = arith.constant 0 : i32
    %dma_start3A_10 = arith.constant 0 : i32
    %dma_start3A_11 = tpu.memref_slice %arg3[%dma_start3A_9, %dma_start3A_10] : memref<52000x256xf32, #tpu.memory_space<hbm>> -> memref<52000x256xf32, #tpu.memory_space<hbm>>
    tpu.enqueue_indirect_dma source(%dma_start3A_11 : memref<52000x256xf32, #tpu.memory_space<hbm>>) target(%arg7 : memref<128x256xf32, #tpu.memory_space<vmem>>) offsets(%dma_start3A_8 : memref<128xi32, #tpu.memory_space<vmem>>) semaphore(%arg10 : memref<!tpu.dma_semaphore, #tpu.memory_space<semaphore_mem>>)
    %scan3A = arith.constant 0 : i32
    %scan3A_12 = arith.constant 0 : i32
    %scan3A_13 = arith.constant 66 : i32
    %scan3A_14 = arith.addi %scan3A_12, %scan3A_13 : i32
    %scan3A_15 = arith.constant 1 : i32
    scf.for %scan3A_85 = %scan3A_12 to %scan3A_14 step %scan3A_15  : i32 {
      %mul3A_86 = arith.constant 3 : i32
      %mul3A_87 = arith.muli %scan3A_85, %mul3A_86 : i32
      %add3A_88 = arith.constant 0 : i32
      %add3A_89 = arith.addi %mul3A_87, %add3A_88 : i32
      %dma_wait3A_90 = arith.constant 0 : i32
      %dma_wait3A_91 = tpu.memref_slice %arg5[%dma_wait3A_90] : memref<25600xi32, #tpu.memory_space<vmem>> -> memref<128xi32, #tpu.memory_space<vmem>>
      %dma_wait3A_92 = arith.constant 0 : i32
      %dma_wait3A_93 = arith.constant 0 : i32
      %dma_wait3A_94 = tpu.memref_slice %arg3[%dma_wait3A_92, %dma_wait3A_93] : memref<52000x256xf32, #tpu.memory_space<hbm>> -> memref<52000x256xf32, #tpu.memory_space<hbm>>
      tpu.wait_indirect_dma semaphore(%arg9 : memref<!tpu.dma_semaphore, #tpu.memory_space<semaphore_mem>>) src(%dma_wait3A_94 : memref<52000x256xf32, #tpu.memory_space<hbm>>) dst(%arg6 : memref<128x256xf32, #tpu.memory_space<vmem>>)
      %mul3A_95 = arith.constant 128 : i32
      %mul3A_96 = arith.muli %add3A_89, %mul3A_95 : i32
      %add3A_97 = arith.addi %mul3A_2, %mul3A_96 : i32
      %dma_start3A_98 = arith.constant 0 : i32
      %dma_start3A_99 = tpu.memref_slice %arg4[%add3A_97, %dma_start3A_98] : memref<819200x256xf32, #tpu.memory_space<hbm>> -> memref<128x256xf32, #tpu.memory_space<hbm>>
      %dma_start3A_100 = arith.constant 0 : i32
      %dma_start3A_101 = tpu.memref_slice %arg4[%add3A_97, %dma_start3A_100] : memref<819200x256xf32, #tpu.memory_space<hbm>> -> memref<128x256xf32, #tpu.memory_space<hbm>>
      tpu.enqueue_dma source(%arg6 : memref<128x256xf32, #tpu.memory_space<vmem>>) target(%dma_start3A_101 : memref<128x256xf32, #tpu.memory_space<hbm>>) target_semaphore(%arg12 : memref<!tpu.dma_semaphore, #tpu.memory_space<semaphore_mem>>)
      %gt3A = arith.constant 0 : i32
      %gt3A_102 = arith.cmpi sgt, %add3A_89, %gt3A : i32
      %convert_element_type3A = arith.extui %gt3A_102 : i1 to i32
      %cond3A = arith.constant 0 : i32
      %cond3A_103 = arith.cmpi ne, %convert_element_type3A, %cond3A : i32
      scf.if %cond3A_103 {
        %dma_wait3A_176 = arith.constant 0 : i32
        %dma_wait3A_177 = tpu.memref_slice %arg4[%mul3A_2, %dma_wait3A_176] : memref<819200x256xf32, #tpu.memory_space<hbm>> -> memref<128x256xf32, #tpu.memory_space<hbm>>
        %dma_wait3A_178 = arith.constant 0 : i32
        %dma_wait3A_179 = tpu.memref_slice %arg4[%mul3A_2, %dma_wait3A_178] : memref<819200x256xf32, #tpu.memory_space<hbm>> -> memref<128x256xf32, #tpu.memory_space<hbm>>
        tpu.wait_dma2 semaphore(%arg14 : memref<!tpu.dma_semaphore, #tpu.memory_space<semaphore_mem>>) src(%arg8 : memref<128x256xf32, #tpu.memory_space<vmem>>) dst(%dma_wait3A_179 : memref<128x256xf32, #tpu.memory_space<hbm>>)
      } else {
      }
      %add3A_104 = arith.constant 2 : i32
      %add3A_105 = arith.addi %add3A_89, %add3A_104 : i32
      %min3A_106 = arith.constant 199 : i32
      %min3A_107 = arith.minsi %add3A_105, %min3A_106 : i32
      %mul3A_108 = arith.constant 128 : i32
      %mul3A_109 = arith.muli %min3A_107, %mul3A_108 : i32
      %dma_start3A_110 = tpu.memref_slice %arg5[%mul3A_109] : memref<25600xi32, #tpu.memory_space<vmem>> -> memref<128xi32, #tpu.memory_space<vmem>>
      %dma_start3A_111 = arith.constant 0 : i32
      %dma_start3A_112 = arith.constant 0 : i32
      %dma_start3A_113 = tpu.memref_slice %arg3[%dma_start3A_111, %dma_start3A_112] : memref<52000x256xf32, #tpu.memory_space<hbm>> -> memref<52000x256xf32, #tpu.memory_space<hbm>>
      tpu.enqueue_indirect_dma source(%dma_start3A_113 : memref<52000x256xf32, #tpu.memory_space<hbm>>) target(%arg8 : memref<128x256xf32, #tpu.memory_space<vmem>>) offsets(%dma_start3A_110 : memref<128xi32, #tpu.memory_space<vmem>>) semaphore(%arg11 : memref<!tpu.dma_semaphore, #tpu.memory_space<semaphore_mem>>)
      %mul3A_114 = arith.constant 3 : i32
      %mul3A_115 = arith.muli %scan3A_85, %mul3A_114 : i32
      %add3A_116 = arith.constant 1 : i32
      %add3A_117 = arith.addi %mul3A_115, %add3A_116 : i32
      %dma_wait3A_118 = arith.constant 0 : i32
      %dma_wait3A_119 = tpu.memref_slice %arg5[%dma_wait3A_118] : memref<25600xi32, #tpu.memory_space<vmem>> -> memref<128xi32, #tpu.memory_space<vmem>>
      %dma_wait3A_120 = arith.constant 0 : i32
      %dma_wait3A_121 = arith.constant 0 : i32
      %dma_wait3A_122 = tpu.memref_slice %arg3[%dma_wait3A_120, %dma_wait3A_121] : memref<52000x256xf32, #tpu.memory_space<hbm>> -> memref<52000x256xf32, #tpu.memory_space<hbm>>
      tpu.wait_indirect_dma semaphore(%arg10 : memref<!tpu.dma_semaphore, #tpu.memory_space<semaphore_mem>>) src(%dma_wait3A_122 : memref<52000x256xf32, #tpu.memory_space<hbm>>) dst(%arg7 : memref<128x256xf32, #tpu.memory_space<vmem>>)
      %mul3A_123 = arith.constant 128 : i32
      %mul3A_124 = arith.muli %add3A_117, %mul3A_123 : i32
      %add3A_125 = arith.addi %mul3A_2, %mul3A_124 : i32
      %dma_start3A_126 = arith.constant 0 : i32
      %dma_start3A_127 = tpu.memref_slice %arg4[%add3A_125, %dma_start3A_126] : memref<819200x256xf32, #tpu.memory_space<hbm>> -> memref<128x256xf32, #tpu.memory_space<hbm>>
      %dma_start3A_128 = arith.constant 0 : i32
      %dma_start3A_129 = tpu.memref_slice %arg4[%add3A_125, %dma_start3A_128] : memref<819200x256xf32, #tpu.memory_space<hbm>> -> memref<128x256xf32, #tpu.memory_space<hbm>>
      tpu.enqueue_dma source(%arg7 : memref<128x256xf32, #tpu.memory_space<vmem>>) target(%dma_start3A_129 : memref<128x256xf32, #tpu.memory_space<hbm>>) target_semaphore(%arg13 : memref<!tpu.dma_semaphore, #tpu.memory_space<semaphore_mem>>)
      %gt3A_130 = arith.constant 0 : i32
      %gt3A_131 = arith.cmpi sgt, %add3A_117, %gt3A_130 : i32
      %convert_element_type3A_132 = arith.extui %gt3A_131 : i1 to i32
      %cond3A_133 = arith.constant 0 : i32
      %cond3A_134 = arith.cmpi ne, %convert_element_type3A_132, %cond3A_133 : i32
      scf.if %cond3A_134 {
        %dma_wait3A_176 = arith.constant 0 : i32
        %dma_wait3A_177 = tpu.memref_slice %arg4[%mul3A_2, %dma_wait3A_176] : memref<819200x256xf32, #tpu.memory_space<hbm>> -> memref<128x256xf32, #tpu.memory_space<hbm>>
        %dma_wait3A_178 = arith.constant 0 : i32
        %dma_wait3A_179 = tpu.memref_slice %arg4[%mul3A_2, %dma_wait3A_178] : memref<819200x256xf32, #tpu.memory_space<hbm>> -> memref<128x256xf32, #tpu.memory_space<hbm>>
        tpu.wait_dma2 semaphore(%arg12 : memref<!tpu.dma_semaphore, #tpu.memory_space<semaphore_mem>>) src(%arg6 : memref<128x256xf32, #tpu.memory_space<vmem>>) dst(%dma_wait3A_179 : memref<128x256xf32, #tpu.memory_space<hbm>>)
      } else {
      }
      %add3A_135 = arith.constant 2 : i32
      %add3A_136 = arith.addi %add3A_117, %add3A_135 : i32
      %min3A_137 = arith.constant 199 : i32
      %min3A_138 = arith.minsi %add3A_136, %min3A_137 : i32
      %mul3A_139 = arith.constant 128 : i32
      %mul3A_140 = arith.muli %min3A_138, %mul3A_139 : i32
      %dma_start3A_141 = tpu.memref_slice %arg5[%mul3A_140] : memref<25600xi32, #tpu.memory_space<vmem>> -> memref<128xi32, #tpu.memory_space<vmem>>
      %dma_start3A_142 = arith.constant 0 : i32
      %dma_start3A_143 = arith.constant 0 : i32
      %dma_start3A_144 = tpu.memref_slice %arg3[%dma_start3A_142, %dma_start3A_143] : memref<52000x256xf32, #tpu.memory_space<hbm>> -> memref<52000x256xf32, #tpu.memory_space<hbm>>
      tpu.enqueue_indirect_dma source(%dma_start3A_144 : memref<52000x256xf32, #tpu.memory_space<hbm>>) target(%arg6 : memref<128x256xf32, #tpu.memory_space<vmem>>) offsets(%dma_start3A_141 : memref<128xi32, #tpu.memory_space<vmem>>) semaphore(%arg9 : memref<!tpu.dma_semaphore, #tpu.memory_space<semaphore_mem>>)
      %mul3A_145 = arith.constant 3 : i32
      %mul3A_146 = arith.muli %scan3A_85, %mul3A_145 : i32
      %add3A_147 = arith.constant 2 : i32
      %add3A_148 = arith.addi %mul3A_146, %add3A_147 : i32
      %dma_wait3A_149 = arith.constant 0 : i32
      %dma_wait3A_150 = tpu.memref_slice %arg5[%dma_wait3A_149] : memref<25600xi32, #tpu.memory_space<vmem>> -> memref<128xi32, #tpu.memory_space<vmem>>
      %dma_wait3A_151 = arith.constant 0 : i32
      %dma_wait3A_152 = arith.constant 0 : i32
      %dma_wait3A_153 = tpu.memref_slice %arg3[%dma_wait3A_151, %dma_wait3A_152] : memref<52000x256xf32, #tpu.memory_space<hbm>> -> memref<52000x256xf32, #tpu.memory_space<hbm>>
      tpu.wait_indirect_dma semaphore(%arg11 : memref<!tpu.dma_semaphore, #tpu.memory_space<semaphore_mem>>) src(%dma_wait3A_153 : memref<52000x256xf32, #tpu.memory_space<hbm>>) dst(%arg8 : memref<128x256xf32, #tpu.memory_space<vmem>>)
      %mul3A_154 = arith.constant 128 : i32
      %mul3A_155 = arith.muli %add3A_148, %mul3A_154 : i32
      %add3A_156 = arith.addi %mul3A_2, %mul3A_155 : i32
      %dma_start3A_157 = arith.constant 0 : i32
      %dma_start3A_158 = tpu.memref_slice %arg4[%add3A_156, %dma_start3A_157] : memref<819200x256xf32, #tpu.memory_space<hbm>> -> memref<128x256xf32, #tpu.memory_space<hbm>>
      %dma_start3A_159 = arith.constant 0 : i32
      %dma_start3A_160 = tpu.memref_slice %arg4[%add3A_156, %dma_start3A_159] : memref<819200x256xf32, #tpu.memory_space<hbm>> -> memref<128x256xf32, #tpu.memory_space<hbm>>
      tpu.enqueue_dma source(%arg8 : memref<128x256xf32, #tpu.memory_space<vmem>>) target(%dma_start3A_160 : memref<128x256xf32, #tpu.memory_space<hbm>>) target_semaphore(%arg14 : memref<!tpu.dma_semaphore, #tpu.memory_space<semaphore_mem>>)
      %gt3A_161 = arith.constant 0 : i32
      %gt3A_162 = arith.cmpi sgt, %add3A_148, %gt3A_161 : i32
      %convert_element_type3A_163 = arith.extui %gt3A_162 : i1 to i32
      %cond3A_164 = arith.constant 0 : i32
      %cond3A_165 = arith.cmpi ne, %convert_element_type3A_163, %cond3A_164 : i32
      scf.if %cond3A_165 {
        %dma_wait3A_176 = arith.constant 0 : i32
        %dma_wait3A_177 = tpu.memref_slice %arg4[%mul3A_2, %dma_wait3A_176] : memref<819200x256xf32, #tpu.memory_space<hbm>> -> memref<128x256xf32, #tpu.memory_space<hbm>>
        %dma_wait3A_178 = arith.constant 0 : i32
        %dma_wait3A_179 = tpu.memref_slice %arg4[%mul3A_2, %dma_wait3A_178] : memref<819200x256xf32, #tpu.memory_space<hbm>> -> memref<128x256xf32, #tpu.memory_space<hbm>>
        tpu.wait_dma2 semaphore(%arg13 : memref<!tpu.dma_semaphore, #tpu.memory_space<semaphore_mem>>) src(%arg7 : memref<128x256xf32, #tpu.memory_space<vmem>>) dst(%dma_wait3A_179 : memref<128x256xf32, #tpu.memory_space<hbm>>)
      } else {
      }
      %add3A_166 = arith.constant 2 : i32
      %add3A_167 = arith.addi %add3A_148, %add3A_166 : i32
      %min3A_168 = arith.constant 199 : i32
      %min3A_169 = arith.minsi %add3A_167, %min3A_168 : i32
      %mul3A_170 = arith.constant 128 : i32
      %mul3A_171 = arith.muli %min3A_169, %mul3A_170 : i32
      %dma_start3A_172 = tpu.memref_slice %arg5[%mul3A_171] : memref<25600xi32, #tpu.memory_space<vmem>> -> memref<128xi32, #tpu.memory_space<vmem>>
      %dma_start3A_173 = arith.constant 0 : i32
      %dma_start3A_174 = arith.constant 0 : i32
      %dma_start3A_175 = tpu.memref_slice %arg3[%dma_start3A_173, %dma_start3A_174] : memref<52000x256xf32, #tpu.memory_space<hbm>> -> memref<52000x256xf32, #tpu.memory_space<hbm>>
      tpu.enqueue_indirect_dma source(%dma_start3A_175 : memref<52000x256xf32, #tpu.memory_space<hbm>>) target(%arg7 : memref<128x256xf32, #tpu.memory_space<vmem>>) offsets(%dma_start3A_172 : memref<128xi32, #tpu.memory_space<vmem>>) semaphore(%arg10 : memref<!tpu.dma_semaphore, #tpu.memory_space<semaphore_mem>>)
    }
    %scan3A_16 = arith.constant 66 : i32
    %dma_wait3A = arith.constant 0 : i32
    %dma_wait3A_17 = tpu.memref_slice %arg5[%dma_wait3A] : memref<25600xi32, #tpu.memory_space<vmem>> -> memref<128xi32, #tpu.memory_space<vmem>>
    %dma_wait3A_18 = arith.constant 0 : i32
    %dma_wait3A_19 = arith.constant 0 : i32
    %dma_wait3A_20 = tpu.memref_slice %arg3[%dma_wait3A_18, %dma_wait3A_19] : memref<52000x256xf32, #tpu.memory_space<hbm>> -> memref<52000x256xf32, #tpu.memory_space<hbm>>
    tpu.wait_indirect_dma semaphore(%arg9 : memref<!tpu.dma_semaphore, #tpu.memory_space<semaphore_mem>>) src(%dma_wait3A_20 : memref<52000x256xf32, #tpu.memory_space<hbm>>) dst(%arg6 : memref<128x256xf32, #tpu.memory_space<vmem>>)
    %mul3A_21 = arith.constant 198 : i32
    %mul3A_22 = arith.constant 128 : i32
    %mul3A_23 = arith.muli %mul3A_21, %mul3A_22 : i32
    %add3A_24 = arith.addi %mul3A_2, %mul3A_23 : i32
    %dma_start3A_25 = arith.constant 0 : i32
    %dma_start3A_26 = tpu.memref_slice %arg4[%add3A_24, %dma_start3A_25] : memref<819200x256xf32, #tpu.memory_space<hbm>> -> memref<128x256xf32, #tpu.memory_space<hbm>>
    %dma_start3A_27 = arith.constant 0 : i32
    %dma_start3A_28 = tpu.memref_slice %arg4[%add3A_24, %dma_start3A_27] : memref<819200x256xf32, #tpu.memory_space<hbm>> -> memref<128x256xf32, #tpu.memory_space<hbm>>
    tpu.enqueue_dma source(%arg6 : memref<128x256xf32, #tpu.memory_space<vmem>>) target(%dma_start3A_28 : memref<128x256xf32, #tpu.memory_space<hbm>>) target_semaphore(%arg12 : memref<!tpu.dma_semaphore, #tpu.memory_space<semaphore_mem>>)
    %dma_wait3A_29 = arith.constant 0 : i32
    %dma_wait3A_30 = tpu.memref_slice %arg4[%mul3A_2, %dma_wait3A_29] : memref<819200x256xf32, #tpu.memory_space<hbm>> -> memref<128x256xf32, #tpu.memory_space<hbm>>
    %dma_wait3A_31 = arith.constant 0 : i32
    %dma_wait3A_32 = tpu.memref_slice %arg4[%mul3A_2, %dma_wait3A_31] : memref<819200x256xf32, #tpu.memory_space<hbm>> -> memref<128x256xf32, #tpu.memory_space<hbm>>
    tpu.wait_dma2 semaphore(%arg14 : memref<!tpu.dma_semaphore, #tpu.memory_space<semaphore_mem>>) src(%arg8 : memref<128x256xf32, #tpu.memory_space<vmem>>) dst(%dma_wait3A_32 : memref<128x256xf32, #tpu.memory_space<hbm>>)
    %add3A_33 = arith.constant 198 : i32
    %add3A_34 = arith.constant 2 : i32
    %add3A_35 = arith.addi %add3A_33, %add3A_34 : i32
    %min3A = arith.constant 199 : i32
    %min3A_36 = arith.minsi %add3A_35, %min3A : i32
    %mul3A_37 = arith.constant 128 : i32
    %mul3A_38 = arith.muli %min3A_36, %mul3A_37 : i32
    %dma_start3A_39 = tpu.memref_slice %arg5[%mul3A_38] : memref<25600xi32, #tpu.memory_space<vmem>> -> memref<128xi32, #tpu.memory_space<vmem>>
    %dma_start3A_40 = arith.constant 0 : i32
    %dma_start3A_41 = arith.constant 0 : i32
    %dma_start3A_42 = tpu.memref_slice %arg3[%dma_start3A_40, %dma_start3A_41] : memref<52000x256xf32, #tpu.memory_space<hbm>> -> memref<52000x256xf32, #tpu.memory_space<hbm>>
    tpu.enqueue_indirect_dma source(%dma_start3A_42 : memref<52000x256xf32, #tpu.memory_space<hbm>>) target(%arg8 : memref<128x256xf32, #tpu.memory_space<vmem>>) offsets(%dma_start3A_39 : memref<128xi32, #tpu.memory_space<vmem>>) semaphore(%arg11 : memref<!tpu.dma_semaphore, #tpu.memory_space<semaphore_mem>>)
    %dma_wait3A_43 = arith.constant 0 : i32
    %dma_wait3A_44 = tpu.memref_slice %arg5[%dma_wait3A_43] : memref<25600xi32, #tpu.memory_space<vmem>> -> memref<128xi32, #tpu.memory_space<vmem>>
    %dma_wait3A_45 = arith.constant 0 : i32
    %dma_wait3A_46 = arith.constant 0 : i32
    %dma_wait3A_47 = tpu.memref_slice %arg3[%dma_wait3A_45, %dma_wait3A_46] : memref<52000x256xf32, #tpu.memory_space<hbm>> -> memref<52000x256xf32, #tpu.memory_space<hbm>>
    tpu.wait_indirect_dma semaphore(%arg10 : memref<!tpu.dma_semaphore, #tpu.memory_space<semaphore_mem>>) src(%dma_wait3A_47 : memref<52000x256xf32, #tpu.memory_space<hbm>>) dst(%arg7 : memref<128x256xf32, #tpu.memory_space<vmem>>)
    %mul3A_48 = arith.constant 199 : i32
    %mul3A_49 = arith.constant 128 : i32
    %mul3A_50 = arith.muli %mul3A_48, %mul3A_49 : i32
    %add3A_51 = arith.addi %mul3A_2, %mul3A_50 : i32
    %dma_start3A_52 = arith.constant 0 : i32
    %dma_start3A_53 = tpu.memref_slice %arg4[%add3A_51, %dma_start3A_52] : memref<819200x256xf32, #tpu.memory_space<hbm>> -> memref<128x256xf32, #tpu.memory_space<hbm>>
    %dma_start3A_54 = arith.constant 0 : i32
    %dma_start3A_55 = tpu.memref_slice %arg4[%add3A_51, %dma_start3A_54] : memref<819200x256xf32, #tpu.memory_space<hbm>> -> memref<128x256xf32, #tpu.memory_space<hbm>>
    tpu.enqueue_dma source(%arg7 : memref<128x256xf32, #tpu.memory_space<vmem>>) target(%dma_start3A_55 : memref<128x256xf32, #tpu.memory_space<hbm>>) target_semaphore(%arg13 : memref<!tpu.dma_semaphore, #tpu.memory_space<semaphore_mem>>)
    %dma_wait3A_56 = arith.constant 0 : i32
    %dma_wait3A_57 = tpu.memref_slice %arg4[%mul3A_2, %dma_wait3A_56] : memref<819200x256xf32, #tpu.memory_space<hbm>> -> memref<128x256xf32, #tpu.memory_space<hbm>>
    %dma_wait3A_58 = arith.constant 0 : i32
    %dma_wait3A_59 = tpu.memref_slice %arg4[%mul3A_2, %dma_wait3A_58] : memref<819200x256xf32, #tpu.memory_space<hbm>> -> memref<128x256xf32, #tpu.memory_space<hbm>>
    tpu.wait_dma2 semaphore(%arg12 : memref<!tpu.dma_semaphore, #tpu.memory_space<semaphore_mem>>) src(%arg6 : memref<128x256xf32, #tpu.memory_space<vmem>>) dst(%dma_wait3A_59 : memref<128x256xf32, #tpu.memory_space<hbm>>)
    %add3A_60 = arith.constant 199 : i32
    %add3A_61 = arith.constant 2 : i32
    %add3A_62 = arith.addi %add3A_60, %add3A_61 : i32
    %min3A_63 = arith.constant 199 : i32
    %min3A_64 = arith.minsi %add3A_62, %min3A_63 : i32
    %mul3A_65 = arith.constant 128 : i32
    %mul3A_66 = arith.muli %min3A_64, %mul3A_65 : i32
    %dma_start3A_67 = tpu.memref_slice %arg5[%mul3A_66] : memref<25600xi32, #tpu.memory_space<vmem>> -> memref<128xi32, #tpu.memory_space<vmem>>
    %dma_start3A_68 = arith.constant 0 : i32
    %dma_start3A_69 = arith.constant 0 : i32
    %dma_start3A_70 = tpu.memref_slice %arg3[%dma_start3A_68, %dma_start3A_69] : memref<52000x256xf32, #tpu.memory_space<hbm>> -> memref<52000x256xf32, #tpu.memory_space<hbm>>
    tpu.enqueue_indirect_dma source(%dma_start3A_70 : memref<52000x256xf32, #tpu.memory_space<hbm>>) target(%arg6 : memref<128x256xf32, #tpu.memory_space<vmem>>) offsets(%dma_start3A_67 : memref<128xi32, #tpu.memory_space<vmem>>) semaphore(%arg9 : memref<!tpu.dma_semaphore, #tpu.memory_space<semaphore_mem>>)
    %dma_wait3A_71 = arith.constant 0 : i32
    %dma_wait3A_72 = tpu.memref_slice %arg4[%mul3A_2, %dma_wait3A_71] : memref<819200x256xf32, #tpu.memory_space<hbm>> -> memref<128x256xf32, #tpu.memory_space<hbm>>
    %dma_wait3A_73 = arith.constant 0 : i32
    %dma_wait3A_74 = tpu.memref_slice %arg4[%mul3A_2, %dma_wait3A_73] : memref<819200x256xf32, #tpu.memory_space<hbm>> -> memref<128x256xf32, #tpu.memory_space<hbm>>
    tpu.wait_dma2 semaphore(%arg13 : memref<!tpu.dma_semaphore, #tpu.memory_space<semaphore_mem>>) src(%arg7 : memref<128x256xf32, #tpu.memory_space<vmem>>) dst(%dma_wait3A_74 : memref<128x256xf32, #tpu.memory_space<hbm>>)
    %dma_wait3A_75 = arith.constant 0 : i32
    %dma_wait3A_76 = tpu.memref_slice %arg5[%dma_wait3A_75] : memref<25600xi32, #tpu.memory_space<vmem>> -> memref<128xi32, #tpu.memory_space<vmem>>
    %dma_wait3A_77 = arith.constant 0 : i32
    %dma_wait3A_78 = arith.constant 0 : i32
    %dma_wait3A_79 = tpu.memref_slice %arg3[%dma_wait3A_77, %dma_wait3A_78] : memref<52000x256xf32, #tpu.memory_space<hbm>> -> memref<52000x256xf32, #tpu.memory_space<hbm>>
    tpu.wait_indirect_dma semaphore(%arg11 : memref<!tpu.dma_semaphore, #tpu.memory_space<semaphore_mem>>) src(%dma_wait3A_79 : memref<52000x256xf32, #tpu.memory_space<hbm>>) dst(%arg8 : memref<128x256xf32, #tpu.memory_space<vmem>>)
    %dma_wait3A_80 = arith.constant 0 : i32
    %dma_wait3A_81 = tpu.memref_slice %arg5[%dma_wait3A_80] : memref<25600xi32, #tpu.memory_space<vmem>> -> memref<128xi32, #tpu.memory_space<vmem>>
    %dma_wait3A_82 = arith.constant 0 : i32
    %dma_wait3A_83 = arith.constant 0 : i32
    %dma_wait3A_84 = tpu.memref_slice %arg3[%dma_wait3A_82, %dma_wait3A_83] : memref<52000x256xf32, #tpu.memory_space<hbm>> -> memref<52000x256xf32, #tpu.memory_space<hbm>>
    tpu.wait_indirect_dma semaphore(%arg9 : memref<!tpu.dma_semaphore, #tpu.memory_space<semaphore_mem>>) src(%dma_wait3A_84 : memref<52000x256xf32, #tpu.memory_space<hbm>>) dst(%arg6 : memref<128x256xf32, #tpu.memory_space<vmem>>)
    return
  }
}

</mosaic_0001>

<sc_bundles>
// kernel: kernel.3.cloned.1.call-start
scs
__scs_entry_jumppad:
0x0: {  	(pc) =	sbr.rel $0x88, $3  }
0x1: {  	(tag) =	ssettag $0x0;
	lr =	simm.s32 $0x1  }
0x2: {  	[smem:$0x3F9F] =	sst lr;
	_ =	strace $0xD0000000  }
0x3: {  	_ = 	snop  }
0x4: {  	_ = 	snop  }
0x5: {  	_ = 	snop  }
0x6: {  	_ = 	snop  }
0x7: {  	_ = 	snop  }
__scs_overlays_trampoline_lowered:
0x8: {  	[smem:$0x3FAE] =	sst s0  }
0x9: {  	[smem:$0x3FAF] =	sst s1  }
0xa: {  	[smem:$0x3FB0] =	sst s2  }
0xb: {  	[smem:$0x3FB1] =	sst s3  }
0xc: {  	[smem:$0x3FB2] =	sst s4  }
0xd: {  	[smem:$0x3FB3] =	sst s5  }
0xe: {  	[smem:$0x3FB4] =	sst s6  }
0xf: {  	[smem:$0x3FB5] =	sst s7  }
0x10: {  	[smem:$0x3FB6] =	sst s8  }
0x11: {  	[smem:$0x3FB7] =	sst s9;
	s0 =	simm.s32 @!p0 $0x0  }
0x12: {  	s1 =	sld [smem:$0x3F9D];
	s0 =	simm.s32 @p0 $0x1  }
0x13: {  	[smem:$0x3FB8] =	sst s0;
	s0 =	simm.s32 @!p1 $0x0  }
0x14: {  	s2 =	sld [smem:$0x3F9C];
	s0 =	simm.s32 @p1 $0x1  }
0x15: {  	[smem:$0x3FB9] =	sst s0;
	s0 =	simm.s32 @!p2 $0x0  }
0x16: {  	s3 =	sld [smem:$0x3FDB];
	s0 =	simm.s32 @p2 $0x1  }
0x17: {  	s4 =	simm.s32 $0x1BF5;
	[smem:$0x3FBB] =	sst s0  }
0x18: {  	s0 =	sld [smem:$0x3F9E];
	_ =	swait.ge [sflag:s4], $0x0  }
0x19: {  	s7 =	sld [smem:$0x3F9F]  }
0x1a: {  	s8 =	sadd.s32 $0xFFFFE003, lr  }
0x1b: {  	s9 =	sadd.s32 $0xFFFFFEF7, lr;
	s5 =	simm.s32 $0xFFFFFFFF;
	p2 =	slt.u32 s8, $0xFFFFF086  }
0x1c: {  	p1 =	slt.u32 s9, $0xF7A;
	s5 =	simm.s32 @!p2 $0x0  }
0x1d: {  	s5 =	simm.s32 @p1 $0x1;
	p0 =	seq.s32 s7, s2  }
0x1e: {  	s7 =	smul.u32 @!p0 $0xF7A, s2;
	p2 =	seq.s32 @!p0 s5, $0x0  }
0x1f: {  	s9 =	smul.u32 $0xF7A, s1;
	s8 =	simm.s32 @!p0 $0x1BF5;
	p2 =	por !p2, p0  }
0x20: {  	[sflag:s8] =	ssyncset.s32 @!p0 $0xFFFFF086;
	s6 =	sadd.s32 @!p0 s3, s7;
	s7 =	simm.s32 @!p0 $0x108  }
0x21: {  	s3 =	sadd.s32 s3, s9;
	s6 =	sadd.s32 @!p0 $0x88, s6;
	s7 =	simm.s32 @p2 $0x1082  }
0x22: {  	[simem:s7], [sflag:s8] =	dma.local @!p0 [hbm:s6], $0xF7A  }
0x23: {  	s9 =	sor.u32 $0xD0000000, s2;
	s6 =	simm.s32 $0x108;
	_ =	swait.ge @!p0 [sflag:s8], $0x0  }
0x24: {  	s3 =	sadd.s32 $0x88, s3;
	s6 =	simm.s32 @!p1 $0x1082;
	[sflag:s4] =	ssyncset.s32 $0xFFFFF086  }
0x25: {  	[simem:s6], [sflag:s4] =	dma.local [hbm:s3], $0xF7A  }
0x26: {  	[smem:$0x3F9F] =	sst s1;
	(tag) =	ssettag s2;
	_ =	strace s9  }
0x27: {  	s1 =	sld [smem:$0x3FAF]  }
0x28: {  	s2 =	sld [smem:$0x3FB0]  }
0x29: {  	s4 =	sld [smem:$0x3FB2]  }
0x2a: {  	p0 =	seq.s32 s5, $0x0;
	s5 =	sld [smem:$0x3FB3]  }
0x2b: {  	s6 =	sld [smem:$0x3FB4]  }
0x2c: {  	s7 =	sld [smem:$0x3FB5]  }
0x2d: {  	s3 =	simm.s32 $0x108;
	s8 =	sld [smem:$0x3FB6]  }
0x2e: {  	s3 =	simm.s32 @!p0 $0x1082;
	s9 =	sld [smem:$0x3FB7]  }
0x2f: {  	lr =	sadd.s32 s0, s3;
	s0 =	sld [smem:$0x3FAE]  }
0x30: {  	s3 =	sld [smem:$0x3FB1]  }
0x31: {  	[smem:$0x3FBA] =	sst s10  }
0x32: {  	s10 =	sld [smem:$0x3FB8];
	_ =	sdelay $0x3  }
0x33: {  	p0 =	seq.s32 s10, $0x1;
	s10 =	sld [smem:$0x3FBA];
	_ =	sdelay $0x3  }
0x34: {  	[smem:$0x3FBA] =	sst s10  }
0x35: {  	s10 =	sld [smem:$0x3FB9];
	_ =	sdelay $0x3  }
0x36: {  	p1 =	seq.s32 s10, $0x1;
	s10 =	sld [smem:$0x3FBA];
	_ =	sdelay $0x3  }
0x37: {  	[smem:$0x3FBA] =	sst s10  }
0x38: {  	s10 =	sld [smem:$0x3FBB]  }
0x39: {  	_ = 	snop;
	(pc) =	sbr.ind lr, $3  }
0x3a: {  	_ = 	snop  }
0x3b: {  	_ = 	snop  }
0x3c: {  	p2 =	seq.s32 s10, $0x1;
	s10 =	sld [smem:$0x3FBA]  }
0x3d: {  	_ =	shalt  }
0x3e: {  	_ =	shalt  }
0x3f: {  	_ =	shalt  }
0x40: {  	_ =	shalt  }
0x41: {  	_ =	shalt  }
0x42: {  	_ =	shalt  }
0x43: {  	_ =	shalt  }
0x44: {  	_ =	shalt  }
0x45: {  	_ =	shalt  }
0x46: {  	_ =	shalt  }
0x47: {  	_ =	shalt  }
0x48: {  	_ =	shalt  }
0x49: {  	_ =	shalt  }
0x4a: {  	_ =	shalt  }
0x4b: {  	_ =	shalt  }
0x4c: {  	_ =	shalt  }
0x4d: {  	_ =	shalt  }
0x4e: {  	_ =	shalt  }
0x4f: {  	_ =	shalt  }
0x50: {  	_ =	shalt  }
0x51: {  	_ =	shalt  }
0x52: {  	_ =	shalt  }
0x53: {  	_ =	shalt  }
0x54: {  	_ =	shalt  }
0x55: {  	_ =	shalt  }
0x56: {  	_ =	shalt  }
0x57: {  	_ =	shalt  }
0x58: {  	_ =	shalt  }
0x59: {  	_ =	shalt  }
0x5a: {  	_ =	shalt  }
0x5b: {  	_ =	shalt  }
0x5c: {  	_ =	shalt  }
0x5d: {  	_ =	shalt  }
0x5e: {  	_ =	shalt  }
0x5f: {  	_ =	shalt  }
0x60: {  	_ =	shalt  }
0x61: {  	_ =	shalt  }
0x62: {  	_ =	shalt  }
0x63: {  	_ =	shalt  }
0x64: {  	_ =	shalt  }
0x65: {  	_ =	shalt  }
0x66: {  	_ =	shalt  }
0x67: {  	_ =	shalt  }
0x68: {  	_ =	shalt  }
0x69: {  	_ =	shalt  }
0x6a: {  	_ =	shalt  }
0x6b: {  	_ =	shalt  }
0x6c: {  	_ =	shalt  }
0x6d: {  	_ =	shalt  }
0x6e: {  	_ =	shalt  }
0x6f: {  	_ =	shalt  }
0x70: {  	_ =	shalt  }
0x71: {  	_ =	shalt  }
0x72: {  	_ =	shalt  }
0x73: {  	_ =	shalt  }
0x74: {  	_ =	shalt  }
0x75: {  	_ =	shalt  }
0x76: {  	_ =	shalt  }
0x77: {  	_ =	shalt  }
0x78: {  	_ =	shalt  }
0x79: {  	_ =	shalt  }
0x7a: {  	_ =	shalt  }
0x7b: {  	_ =	shalt  }
0x7c: {  	_ =	shalt  }
0x7d: {  	_ =	shalt  }
0x7e: {  	_ =	shalt  }
0x7f: {  	_ =	shalt  }
0x80: {  	_ =	shalt  }
0x81: {  	_ =	shalt  }
0x82: {  	_ =	shalt  }
0x83: {  	_ =	shalt  }
0x84: {  	_ =	shalt  }
0x85: {  	_ =	shalt  }
0x86: {  	_ =	shalt  }
0x87: {  	_ =	shalt  }
.Lfunc_end0:
.L_simem_size_0:
called_computation_lowered:
.L_overlay_start_0:
0x88: {  	s2 =	sld [smem:$0x3FD9]  }
0x89: {  	s3 =	sld [smem:$0x3FFE];
	_ =	sdelay $0x1  }
0x8a: {  	s1 =	srdreg.scid  }
0x8b: {  	s0 =	sand.u32 $0x1, s1  }
0x8c: {  	s17 =	sshll.u32 s0, $0xA;
	s2 =	sadd.s32 s3, s2  }
0x8d: {  	s2 =	sadd.s32 s2, s17  }
0x8e: {  	[smem:$0x3FC6] =	sst s2  }
0x8f: {  	_ = 	snop  }
0x90: {  	s2 =	sld [smem:$0x3FC8]  }
0x91: {  	s18 =	sld [smem:$0x3FD0];
	(tm) =	ssettm $0x1  }
0x92: {  	s4 =	sld [smem:$0x3FFB];
	_ =	sdelay $0x3  }
0x93: {  	_ =	strace s4  }
0x94: {  	s4 =	sld [smem:$0x3FFC];
	_ =	sdelay $0x3  }
0x95: {  	_ =	strace s4  }
0x96: {  	s4 =	sld [smem:$0x3FFD];
	_ =	sdelay $0x3  }
0x97: {  	_ =	strace s4  }
0x98: {  	_ =	strace $0x8FFFFFFF  }
0x99: {  	s19 =	sld [smem:$0x3FDB];
	_ =	sdelay $0x1  }
0x9a: {  	s5 =	simm.s32 $_scs_section_size  }
0x9b: {  	s6 =	simm.s32 $_size__tile_overlayer_lowered;
	s7 =	simm.s32 $_tile_overlayer_lowered  }
0x9c: {  	s22 =	simm.s32 $0x1BFF;
	s21 =	sshll.u32 s7, $0x1;
	s4 =	sadd.s32 s5, s19  }
0x9d: {  	s8 =	simm.s32 $0x0;
	s20 =	sshll.u32 s6, $0x1;
	s6 =	sadd.s32 s21, s4  }
0x9e: {  	[timem:s8], [sflag:s22] =	dma.local [hbm:s6], s20  }
0x9f: {  	_ =	swait.ge [sflag:s22], s20  }
0xa0: {  	s5 =	ssub.s32 $0x0, s20;
	[sflag:s22] =	ssyncset.done $0x0  }
0xa1: {  	[sflag:s22] =	ssyncadd.s32 s5;
	_ =	sdelay $0x1  }
0xa2: {  	s23 =	simm.s32 $0x1B8B  }
0xa3: {  	_ =	swait.ge [sflag:s23], $0x1  }
0xa4: {  	[sflag:s23] =	ssyncset.done $0x0  }
0xa5: {  	s25 =	simm.s32 $0x1B8E;
	s24 =	sld [smem:$0x3FFE];
	[sflag:s23] =	ssyncadd.s32 $0xFFFFFFFF  }
0xa6: {  	s26 =	simm.s32 $execute0_lowered;
	[smem:$0x3FD2] =	sst s25  }
0xa7: {  	s6 =	sshll.u32 s26, $0x1;
	_ =	strace $0x80000046;
	[dreg:$0x1] =	wrdreg $0xFFFFFFFF  }
0xa8: {  	s28 =	simm.s32 $_size_execute0_lowered;
	s4 =	sadd.s32 s4, s6;
	[dreg:$0x0] =	wrdreg $0x0  }
0xa9: {  	s6 =	sshll.u32 s28, $0x1;
	[dreg:$0x2] =	wrdreg s4  }
0xaa: {  	[dreg:$0x3] =	wrdreg s6  }
0xab: {  	[dreg:$0x4] =	wrdreg $0xC0  }
0xac: {  	_ =	task [dreg:s8], $0x5FFFF  }
0xad: {  	[dreg:$0x1] =	wrdreg $0xFFFFFFFF  }
0xae: {  	[dreg:$0x0] =	wrdreg $0x60  }
0xaf: {  	[dreg:$0x2] =	wrdreg s24  }
0xb0: {  	[dreg:$0x3] =	wrdreg s2  }
0xb1: {  	[dreg:$0x4] =	wrdreg s18  }
0xb2: {  	[dreg:$0x5] =	wrdreg $0x9  }
0xb3: {  	_ =	task.clear_ibuf [dreg:s8], $0x6FFFF;
	_ =	strace $0x90000046  }
0xb4: {  	s29 =	simm.s32 $0x9;
	_ =	strace $0x80000048  }
0xb5: {  	_ =	swait.ge [sflag:s29], $0x1  }
0xb6: {  	[sflag:s29] =	ssyncadd.s32 $0xFFFFFFFF  }
0xb7: {  	_ =	strace $0x90000048  }
0xb8: {  	_ =	sfence  }
0xb9: {  	s30 =	sld [smem:$0x0];
	_ =	sdelay $0x2  }
0xba: {  	s31 =	sshll.u32 s1, $0xD;
	s1 =	sshrl.u32 s1, $0x2  }
0xbb: {  	s3 =	sand.u32 $0x4000, s31;
	s1 =	sadd.s32 s1, s30  }
0xbc: {  	s0 =	sor.u32 s3, s0;
	s1 =	sshll.u32 s1, $0x11  }
0xbd: {  	s0 =	sor.u32 s1, s0  }
0xbe: {  	s0 =	sadd.s32 $0x8F2B, s0  }
0xbf: {  	[sflag:s0] =	ssyncadd.remote.s32 $0x1  }
0xc0: {  	_ =	sfence.sel $0xFFFF  }
0xc1: {  	[dreg:$0x0] =	wrdreg $0xFFFFFFFF;
	(pc) =	sbr.abs _section_cstart, $3  }
0xc2: {  	[dreg:$0x1] =	wrdreg $0xFFFFFFFF  }
0xc3: {  	_ =	task.clear_ibuf [dreg:s8], $0x2FFFF;
	_ =	strace $0x9FFFFFFF  }
0xc4: {  	(tm) =	ssettm $0x7FFFFFFF  }
0xc5: {  	_ =	shalt  }
tec
execute0_lowered:
.L_overlay_start_1:
0x0: {  	(tag) =	ssettag $0x1  }
0x1: {  	s0 =	rddreg [dreg:$0x0]  }
0x2: {  	s1 =	srdreg.scid;
	s2 =	rddreg [dreg:$0x1]  }
0x3: {  	s11 =	stileid.u32;
	s4 =	rddreg [dreg:$0x2];
	s12 =	simm.s32 $0x13400  }
0x4: {  	s13 =	simm.s32 $0x14400;
	s14 =	simm.s32 $0x15400;
	s30 =	simm.s32 $0x1  }
0x5: {  	s31 =	simm.s32 $0x18C00;
	s28 =	simm.s32 $0x2;
	s8 =	smul.u32 $0xC80000, s11  }
0x6: {  	s1 =	sand.u32 $0x1, s1;
	s3 =	sshll.u32 s11, $0x1;
	s20 =	smul.u32 $0x190000, s11  }
0x7: {  	s29 =	simm.s32 $0x3;
	s5 =	sor.u32 s1, s3;
	s10 =	smul.u32 $0x640000, s1  }
0x8: {  	s3 =	simm.s32 $0x0;
	s7 =	ssub.s32 $0x2, s1;
	s1 =	smul.u32 $0xC8000, s1  }
0x9: {  	s11 =	simm.s32 $0x12400;
	s6 =	smul.u32 $0x6400, s5;
	[smem:$0x7FF] =	sst s3  }
0xa: {  	s5 =	smul.u32 $0x640000, s5;
	s9 =	sshrl.u32 s7, $0x1;
	s22 =	sadd.s32 s20, s4  }
0xb: {  	s20 =	simm.s32 $0xFC00;
	_ =	strace $0x80000047;
	s15 =	ssub.s32 s7, s9  }
0xc: {  	s17 =	sadd.s32 s10, s8;
	s23 =	sadd.s32 s1, s22;
	s9 =	simm.s32 $0x6400  }
0xd: {  	s10 =	simm.s32 $0x10400;
	s22 =	simm.s32 $0x11C00;
	s7 =	simm.s32 $0x14C00  }
0xe: {  	s8 =	simm.s32 $0x15C00;
	s6 =	sshrl.u32 s6, $0x3;
	s5 =	sshrl.u32 s5, $0x3  }
0xf: {  	s19 =	sor.u32 $0x8000, s17;
	s25 =	smax.u32 s15, $0x1;
	[dreg:$0x5] =	wrdreg s23  }
0x10: {  	s15 =	simm.s32 $0x0;
	s23 =	simm.s32 $0x10C00;
	s0 =	sadd.s32 s6, s0  }
0x11: {  	s16 =	sadd.s32 s4, s5;
	s21 =	sshrl.u32 s19, $0x3;
	s5 =	sor.u32 $0x10000, s17  }
0x12: {  	[dreg:$0xa] =	wrdreg s25;
	s25 =	simm.s32 $0xE400;
	s19 =	simm.s32 $0xEC00  }
0x13: {  	s6 =	simm.s32 $0x13C00;
	s17 =	simm.s32 $0x4;
	s0 =	sadd.s32 $0x400, s0  }
0x14: {  	s18 =	sadd.s32 $0xC6000, s16;
	s24 =	sshrl.u32 s5, $0x3;
	[dreg:$0x7] =	wrdreg s0  }
0x15: {  	s5 =	simm.s32 $0x12C00;
	[dreg:$0x8] =	wrdreg s18;
	s0 =	sadd.s32 $0xC7000, s16  }
0x16: {  	s26 =	sadd.s32 s24, s4;
	s18 =	simm.s32 $0x5;
	s16 =	simm.s32 $0x17C00  }
0x17: {  	v2 =	vlaneseq.u32;
	s24 =	simm.s32 $0x11C00;
	[dreg:$0x9] =	wrdreg s0;
	s0 =	sadd.s32 s21, s4  }
0x18: {  	vm0 =	vmmov $0xffff;
	v1 =	vshrl.u32 v2, $0x3;
	[dreg:$0x6] =	wrdreg s26;
	s21 =	simm.s32 $0x10C00;
	s4 =	simm.s32 $0x11400  }
0x19: {  	v0 =	vand.u32 $0x7, v2;
	v2 =	vor.u32 $0x8, v2;
	v1 =	vmul.u32 $0x8, v1;
	s26 =	simm.s32 $0x17400;
	[dreg:$0x4] =	wrdreg s0;
	s0 =	simm.s32 $0xF400  }
.LBB2_1:
0x1a: {  	[dreg:$0xb] =	wrdreg s15  }
0x1b: {  	s1 =	rddreg [dreg:$0x7];
	s15 =	simm.s32 $0x7  }
0x1c: {  	[tilespmem:s3], [sflag:$0x7] =	stream.linear.gather [hbm4b:s1+s3], $0x6400, $0x38;
	[tilespmem:$0x1E400] =	vst v63  }
0x1d: {  	_ =	swait.ge [sflag:s15], $0x6400  }
0x1e: {  	[sflag:s15] =	ssyncset.done $0x0  }
0x1f: {  	[sflag:s15] =	ssyncadd.s32 $0xFFFF9C00  }
0x20: {  	v3 =	vld [tilespmem:$0x0];
	_ =	sdelay $0x4  }
0x21: {  	v4 =	vshll.u32 v3, $0x1  }
0x22: {  	v3 =	vand.u32 $0x7, v3;
	v4 =	vand.u32 $0xFFFFFFF0, v4  }
0x23: {  	v3 =	vor.u32 v3, v4  }
0x24: {  	v4 =	vperm.xlane v3, v0;
	_ =	sdelay $0x1  }
0x25: {  	v3 =	vperm.xlane v3, v2;
	v4 =	vadd.s32 v1, v4;
	_ =	sdelay $0x1  }
0x26: {  	v3 =	vadd.s32 v1, v3;
	_ =	sdelay $0x2  }
0x27: {  	[tilespmem:s9], [sflag:$0x1] =	stream.indirect_vreg.gather [hbm4b:s2+s3], $0x80, v4, vm0, $0xb8;
	[tilespmem:$0x1E400] =	vst v63  }
0x28: {  	s15 =	simm.s32 $0x6C00  }
0x29: {  	[tilespmem:s15], [sflag:$0x1] =	stream.indirect_vreg.gather [hbm4b:s2+s3], $0x80, v3, vm0, $0xb8;
	[tilespmem:$0x1E400] =	vst v63  }
0x2a: {  	v3 =	vld [tilespmem:$0x10];
	_ =	sdelay $0x4  }
0x2b: {  	v49 =	vshll.u32 v3, $0x1  }
0x2c: {  	v3 =	vand.u32 $0x7, v3;
	v4 =	vand.u32 $0xFFFFFFF0, v49  }
0x2d: {  	v3 =	vor.u32 v3, v4  }
0x2e: {  	v4 =	vperm.xlane v3, v0;
	_ =	sdelay $0x1  }
0x2f: {  	v3 =	vperm.xlane v3, v2;
	v4 =	vadd.s32 v1, v4;
	_ =	sdelay $0x1  }
0x30: {  	v3 =	vadd.s32 v1, v3;
	_ =	sdelay $0x1  }
0x31: {  	s9 =	simm.s32 $0x7400  }
0x32: {  	[tilespmem:s9], [sflag:$0x1] =	stream.indirect_vreg.gather [hbm4b:s2+s3], $0x80, v4, vm0, $0xb8;
	[tilespmem:$0x1E400] =	vst v63  }
0x33: {  	s15 =	simm.s32 $0x7C00  }
0x34: {  	[tilespmem:s15], [sflag:$0x1] =	stream.indirect_vreg.gather [hbm4b:s2+s3], $0x80, v3, vm0, $0xb8;
	[tilespmem:$0x1E400] =	vst v63  }
0x35: {  	v3 =	vld [tilespmem:$0x20];
	_ =	sdelay $0x4  }
0x36: {  	v50 =	vshll.u32 v3, $0x1  }
0x37: {  	v3 =	vand.u32 $0x7, v3;
	v4 =	vand.u32 $0xFFFFFFF0, v50  }
0x38: {  	v3 =	vor.u32 v3, v4  }
0x39: {  	v4 =	vperm.xlane v3, v0;
	_ =	sdelay $0x1  }
0x3a: {  	v3 =	vperm.xlane v3, v2;
	v4 =	vadd.s32 v1, v4;
	_ =	sdelay $0x1  }
0x3b: {  	v3 =	vadd.s32 v1, v3;
	_ =	sdelay $0x1  }
0x3c: {  	s9 =	simm.s32 $0x8400  }
0x3d: {  	[tilespmem:s9], [sflag:$0x1] =	stream.indirect_vreg.gather [hbm4b:s2+s3], $0x80, v4, vm0, $0xb8;
	[tilespmem:$0x1E400] =	vst v63  }
0x3e: {  	s15 =	simm.s32 $0x8C00  }
0x3f: {  	[tilespmem:s15], [sflag:$0x1] =	stream.indirect_vreg.gather [hbm4b:s2+s3], $0x80, v3, vm0, $0xb8;
	[tilespmem:$0x1E400] =	vst v63  }
0x40: {  	v3 =	vld [tilespmem:$0x30];
	_ =	sdelay $0x4  }
0x41: {  	v51 =	vshll.u32 v3, $0x1  }
0x42: {  	v3 =	vand.u32 $0x7, v3;
	v4 =	vand.u32 $0xFFFFFFF0, v51  }
0x43: {  	v3 =	vor.u32 v3, v4  }
0x44: {  	v4 =	vperm.xlane v3, v0;
	_ =	sdelay $0x1  }
0x45: {  	v3 =	vperm.xlane v3, v2;
	v4 =	vadd.s32 v1, v4;
	_ =	sdelay $0x1  }
0x46: {  	v3 =	vadd.s32 v1, v3;
	_ =	sdelay $0x1  }
0x47: {  	s9 =	simm.s32 $0x9400  }
0x48: {  	[tilespmem:s9], [sflag:$0x1] =	stream.indirect_vreg.gather [hbm4b:s2+s3], $0x80, v4, vm0, $0xb8;
	[tilespmem:$0x1E400] =	vst v63  }
0x49: {  	s15 =	simm.s32 $0x9C00  }
0x4a: {  	[tilespmem:s15], [sflag:$0x1] =	stream.indirect_vreg.gather [hbm4b:s2+s3], $0x80, v3, vm0, $0xb8;
	[tilespmem:$0x1E400] =	vst v63  }
0x4b: {  	v3 =	vld [tilespmem:$0x40];
	_ =	sdelay $0x4  }
0x4c: {  	v52 =	vshll.u32 v3, $0x1  }
0x4d: {  	v3 =	vand.u32 $0x7, v3;
	v4 =	vand.u32 $0xFFFFFFF0, v52  }
0x4e: {  	v3 =	vor.u32 v3, v4  }
0x4f: {  	v4 =	vperm.xlane v3, v0;
	_ =	sdelay $0x1  }
0x50: {  	v3 =	vperm.xlane v3, v2;
	v4 =	vadd.s32 v1, v4;
	_ =	sdelay $0x1  }
0x51: {  	v3 =	vadd.s32 v1, v3;
	_ =	sdelay $0x1  }
0x52: {  	s9 =	simm.s32 $0xA400  }
0x53: {  	[tilespmem:s9], [sflag:$0x1] =	stream.indirect_vreg.gather [hbm4b:s2+s3], $0x80, v4, vm0, $0xb8;
	[tilespmem:$0x1E400] =	vst v63  }
0x54: {  	s15 =	simm.s32 $0xAC00  }
0x55: {  	[tilespmem:s15], [sflag:$0x1] =	stream.indirect_vreg.gather [hbm4b:s2+s3], $0x80, v3, vm0, $0xb8;
	[tilespmem:$0x1E400] =	vst v63  }
0x56: {  	v3 =	vld [tilespmem:$0x50];
	_ =	sdelay $0x4  }
0x57: {  	v53 =	vshll.u32 v3, $0x1  }
0x58: {  	v3 =	vand.u32 $0x7, v3;
	v4 =	vand.u32 $0xFFFFFFF0, v53  }
0x59: {  	v3 =	vor.u32 v3, v4  }
0x5a: {  	v4 =	vperm.xlane v3, v0;
	_ =	sdelay $0x1  }
0x5b: {  	v3 =	vperm.xlane v3, v2;
	v4 =	vadd.s32 v1, v4;
	_ =	sdelay $0x1  }
0x5c: {  	v3 =	vadd.s32 v1, v3;
	_ =	sdelay $0x1  }
0x5d: {  	s9 =	simm.s32 $0xB400  }
0x5e: {  	[tilespmem:s9], [sflag:$0x1] =	stream.indirect_vreg.gather [hbm4b:s2+s3], $0x80, v4, vm0, $0xb8;
	[tilespmem:$0x1E400] =	vst v63  }
0x5f: {  	s15 =	simm.s32 $0xBC00  }
0x60: {  	[tilespmem:s15], [sflag:$0x1] =	stream.indirect_vreg.gather [hbm4b:s2+s3], $0x80, v3, vm0, $0xb8;
	[tilespmem:$0x1E400] =	vst v63  }
0x61: {  	v3 =	vld [tilespmem:$0x60];
	_ =	sdelay $0x4  }
0x62: {  	v54 =	vshll.u32 v3, $0x1  }
0x63: {  	v3 =	vand.u32 $0x7, v3;
	v4 =	vand.u32 $0xFFFFFFF0, v54  }
0x64: {  	v3 =	vor.u32 v3, v4  }
0x65: {  	v4 =	vperm.xlane v3, v0;
	_ =	sdelay $0x1  }
0x66: {  	v3 =	vperm.xlane v3, v2;
	v4 =	vadd.s32 v1, v4;
	_ =	sdelay $0x1  }
0x67: {  	v3 =	vadd.s32 v1, v3;
	_ =	sdelay $0x1  }
0x68: {  	s9 =	simm.s32 $0xC400  }
0x69: {  	[tilespmem:s9], [sflag:$0x1] =	stream.indirect_vreg.gather [hbm4b:s2+s3], $0x80, v4, vm0, $0xb8;
	[tilespmem:$0x1E400] =	vst v63  }
0x6a: {  	s15 =	simm.s32 $0xCC00  }
0x6b: {  	[tilespmem:s15], [sflag:$0x1] =	stream.indirect_vreg.gather [hbm4b:s2+s3], $0x80, v3, vm0, $0xb8;
	[tilespmem:$0x1E400] =	vst v63  }
0x6c: {  	v3 =	vld [tilespmem:$0x70];
	_ =	sdelay $0x4  }
0x6d: {  	v55 =	vshll.u32 v3, $0x1  }
0x6e: {  	v3 =	vand.u32 $0x7, v3;
	v4 =	vand.u32 $0xFFFFFFF0, v55  }
0x6f: {  	v3 =	vor.u32 v3, v4  }
0x70: {  	v4 =	vperm.xlane v3, v0;
	_ =	sdelay $0x1  }
0x71: {  	v3 =	vperm.xlane v3, v2;
	v4 =	vadd.s32 v1, v4;
	_ =	sdelay $0x1  }
0x72: {  	v3 =	vadd.s32 v1, v3;
	_ =	sdelay $0x1  }
0x73: {  	s9 =	simm.s32 $0xD400  }
0x74: {  	[tilespmem:s9], [sflag:$0x1] =	stream.indirect_vreg.gather [hbm4b:s2+s3], $0x80, v4, vm0, $0xb8;
	[tilespmem:$0x1E400] =	vst v63  }
0x75: {  	s15 =	simm.s32 $0xDC00  }
0x76: {  	[tilespmem:s15], [sflag:$0x1] =	stream.indirect_vreg.gather [hbm4b:s2+s3], $0x80, v3, vm0, $0xb8;
	[tilespmem:$0x1E400] =	vst v63  }
0x77: {  	v3 =	vld [tilespmem:$0x80];
	_ =	sdelay $0x4  }
0x78: {  	v56 =	vshll.u32 v3, $0x1  }
0x79: {  	v3 =	vand.u32 $0x7, v3;
	v4 =	vand.u32 $0xFFFFFFF0, v56  }
0x7a: {  	v3 =	vor.u32 v3, v4  }
0x7b: {  	v4 =	vperm.xlane v3, v0;
	_ =	sdelay $0x1  }
0x7c: {  	v3 =	vperm.xlane v3, v2;
	v4 =	vadd.s32 v1, v4;
	_ =	sdelay $0x1  }
0x7d: {  	v3 =	vadd.s32 v1, v3;
	_ =	sdelay $0x2  }
0x7e: {  	[tilespmem:s25], [sflag:$0x2] =	stream.indirect_vreg.gather [hbm4b:s2+s3], $0x80, v4, vm0, $0xb8;
	[tilespmem:$0x1E400] =	vst v63  }
0x7f: {  	_ = 	snop  }
0x80: {  	[tilespmem:s19], [sflag:$0x2] =	stream.indirect_vreg.gather [hbm4b:s2+s3], $0x80, v3, vm0, $0xb8;
	[tilespmem:$0x1E400] =	vst v63  }
0x81: {  	v3 =	vld [tilespmem:$0x90];
	_ =	sdelay $0x4  }
0x82: {  	v57 =	vshll.u32 v3, $0x1  }
0x83: {  	v3 =	vand.u32 $0x7, v3;
	v4 =	vand.u32 $0xFFFFFFF0, v57  }
0x84: {  	v3 =	vor.u32 v3, v4  }
0x85: {  	v4 =	vperm.xlane v3, v0;
	_ =	sdelay $0x1  }
0x86: {  	v3 =	vperm.xlane v3, v2;
	v4 =	vadd.s32 v1, v4;
	_ =	sdelay $0x1  }
0x87: {  	v3 =	vadd.s32 v1, v3;
	_ =	sdelay $0x2  }
0x88: {  	[tilespmem:s0], [sflag:$0x2] =	stream.indirect_vreg.gather [hbm4b:s2+s3], $0x80, v4, vm0, $0xb8;
	[tilespmem:$0x1E400] =	vst v63  }
0x89: {  	_ = 	snop  }
0x8a: {  	[tilespmem:s20], [sflag:$0x2] =	stream.indirect_vreg.gather [hbm4b:s2+s3], $0x80, v3, vm0, $0xb8;
	[tilespmem:$0x1E400] =	vst v63  }
0x8b: {  	v3 =	vld [tilespmem:$0xA0];
	_ =	sdelay $0x4  }
0x8c: {  	v58 =	vshll.u32 v3, $0x1  }
0x8d: {  	v3 =	vand.u32 $0x7, v3;
	v4 =	vand.u32 $0xFFFFFFF0, v58  }
0x8e: {  	v3 =	vor.u32 v3, v4  }
0x8f: {  	v4 =	vperm.xlane v3, v0;
	_ =	sdelay $0x1  }
0x90: {  	v3 =	vperm.xlane v3, v2;
	v4 =	vadd.s32 v1, v4;
	_ =	sdelay $0x1  }
0x91: {  	v3 =	vadd.s32 v1, v3;
	_ =	sdelay $0x2  }
0x92: {  	[tilespmem:s10], [sflag:$0x2] =	stream.indirect_vreg.gather [hbm4b:s2+s3], $0x80, v4, vm0, $0xb8;
	[tilespmem:$0x1E400] =	vst v63  }
0x93: {  	_ = 	snop  }
0x94: {  	[tilespmem:s21], [sflag:$0x2] =	stream.indirect_vreg.gather [hbm4b:s2+s3], $0x80, v3, vm0, $0xb8;
	[tilespmem:$0x1E400] =	vst v63  }
0x95: {  	v3 =	vld [tilespmem:$0xB0];
	_ =	sdelay $0x4  }
0x96: {  	v59 =	vshll.u32 v3, $0x1  }
0x97: {  	v3 =	vand.u32 $0x7, v3;
	v4 =	vand.u32 $0xFFFFFFF0, v59  }
0x98: {  	v3 =	vor.u32 v3, v4  }
0x99: {  	v4 =	vperm.xlane v3, v0;
	_ =	sdelay $0x1  }
0x9a: {  	v3 =	vperm.xlane v3, v2;
	v4 =	vadd.s32 v1, v4;
	_ =	sdelay $0x1  }
0x9b: {  	v3 =	vadd.s32 v1, v3;
	_ =	sdelay $0x2  }
0x9c: {  	[tilespmem:s4], [sflag:$0x2] =	stream.indirect_vreg.gather [hbm4b:s2+s3], $0x80, v4, vm0, $0xb8;
	[tilespmem:$0x1E400] =	vst v63  }
0x9d: {  	_ = 	snop  }
0x9e: {  	[tilespmem:s22], [sflag:$0x2] =	stream.indirect_vreg.gather [hbm4b:s2+s3], $0x80, v3, vm0, $0xb8;
	[tilespmem:$0x1E400] =	vst v63  }
0x9f: {  	v3 =	vld [tilespmem:$0xC0];
	_ =	sdelay $0x4  }
0xa0: {  	v60 =	vshll.u32 v3, $0x1  }
0xa1: {  	v3 =	vand.u32 $0x7, v3;
	v4 =	vand.u32 $0xFFFFFFF0, v60  }
0xa2: {  	v3 =	vor.u32 v3, v4  }
0xa3: {  	v4 =	vperm.xlane v3, v0;
	_ =	sdelay $0x1  }
0xa4: {  	v3 =	vperm.xlane v3, v2;
	v4 =	vadd.s32 v1, v4;
	_ =	sdelay $0x1  }
0xa5: {  	v3 =	vadd.s32 v1, v3;
	_ =	sdelay $0x2  }
0xa6: {  	[tilespmem:s11], [sflag:$0x2] =	stream.indirect_vreg.gather [hbm4b:s2+s3], $0x80, v4, vm0, $0xb8;
	[tilespmem:$0x1E400] =	vst v63  }
0xa7: {  	_ = 	snop  }
0xa8: {  	[tilespmem:s5], [sflag:$0x2] =	stream.indirect_vreg.gather [hbm4b:s2+s3], $0x80, v3, vm0, $0xb8;
	[tilespmem:$0x1E400] =	vst v63  }
0xa9: {  	v3 =	vld [tilespmem:$0xD0];
	_ =	sdelay $0x4  }
0xaa: {  	v61 =	vshll.u32 v3, $0x1  }
0xab: {  	v3 =	vand.u32 $0x7, v3;
	v4 =	vand.u32 $0xFFFFFFF0, v61  }
0xac: {  	v3 =	vor.u32 v3, v4  }
0xad: {  	v4 =	vperm.xlane v3, v0;
	_ =	sdelay $0x1  }
0xae: {  	v3 =	vperm.xlane v3, v2;
	v4 =	vadd.s32 v1, v4;
	_ =	sdelay $0x1  }
0xaf: {  	v3 =	vadd.s32 v1, v3;
	_ =	sdelay $0x2  }
0xb0: {  	[tilespmem:s12], [sflag:$0x2] =	stream.indirect_vreg.gather [hbm4b:s2+s3], $0x80, v4, vm0, $0xb8;
	[tilespmem:$0x1E400] =	vst v63  }
0xb1: {  	_ = 	snop  }
0xb2: {  	[tilespmem:s6], [sflag:$0x2] =	stream.indirect_vreg.gather [hbm4b:s2+s3], $0x80, v3, vm0, $0xb8;
	[tilespmem:$0x1E400] =	vst v63  }
0xb3: {  	v3 =	vld [tilespmem:$0xE0];
	_ =	sdelay $0x4  }
0xb4: {  	v62 =	vshll.u32 v3, $0x1  }
0xb5: {  	v3 =	vand.u32 $0x7, v3;
	v4 =	vand.u32 $0xFFFFFFF0, v62  }
0xb6: {  	v3 =	vor.u32 v3, v4  }
0xb7: {  	v4 =	vperm.xlane v3, v0;
	_ =	sdelay $0x1  }
0xb8: {  	v3 =	vperm.xlane v3, v2;
	v4 =	vadd.s32 v1, v4;
	_ =	sdelay $0x1  }
0xb9: {  	v3 =	vadd.s32 v1, v3;
	_ =	sdelay $0x2  }
0xba: {  	[tilespmem:s13], [sflag:$0x2] =	stream.indirect_vreg.gather [hbm4b:s2+s3], $0x80, v4, vm0, $0xb8;
	[tilespmem:$0x1E400] =	vst v63  }
0xbb: {  	_ = 	snop  }
0xbc: {  	[tilespmem:s7], [sflag:$0x2] =	stream.indirect_vreg.gather [hbm4b:s2+s3], $0x80, v3, vm0, $0xb8;
	[tilespmem:$0x1E400] =	vst v63  }
0xbd: {  	v3 =	vld [tilespmem:$0xF0];
	_ =	sdelay $0x4  }
0xbe: {  	v63 =	vshll.u32 v3, $0x1  }
0xbf: {  	v3 =	vand.u32 $0x7, v3;
	v4 =	vand.u32 $0xFFFFFFF0, v63  }
0xc0: {  	v3 =	vor.u32 v3, v4  }
0xc1: {  	v4 =	vperm.xlane v3, v0;
	_ =	sdelay $0x1  }
0xc2: {  	v3 =	vperm.xlane v3, v2;
	v4 =	vadd.s32 v1, v4  }
0xc3: {  	s9 =	simm.s32 $0x16400;
	s15 =	simm.s32 $0x16C00  }
0xc4: {  	s19 =	simm.s32 $0x140;
	s0 =	simm.s32 $0xF400;
	s20 =	simm.s32 $0x0;
	v3 =	vadd.s32 v1, v3  }
0xc5: {  	s10 =	simm.s32 $0x10400;
	s21 =	simm.s32 $0xEC00;
	s4 =	simm.s32 $0x11400  }
0xc6: {  	s22 =	simm.s32 $0xFC00;
	s11 =	simm.s32 $0x12400;
	s5 =	simm.s32 $0x12C00  }
0xc7: {  	[tilespmem:s14], [sflag:$0x2] =	stream.indirect_vreg.gather [hbm4b:s2+s3], $0x80, v4, vm0, $0xb8;
	[tilespmem:$0x1E400] =	vst v63  }
0xc8: {  	s12 =	simm.s32 $0x13400;
	s6 =	simm.s32 $0x13C00;
	s13 =	simm.s32 $0x14400  }
0xc9: {  	[tilespmem:s8], [sflag:$0x2] =	stream.indirect_vreg.gather [hbm4b:s2+s3], $0x80, v3, vm0, $0xb8;
	[tilespmem:$0x1E400] =	vst v63  }
0xca: {  	s7 =	simm.s32 $0x14C00;
	s14 =	simm.s32 $0x15400;
	s8 =	simm.s32 $0x15C00  }
.LBB2_2:
0xcb: {  	_ =	swait.ge [sflag:s30], $0x8000  }
0xcc: {  	s25 =	simm.s32 $0x6400;
	s1 =	rddreg [dreg:$0x5];
	[sflag:s30] =	ssyncset.done $0x0  }
0xcd: {  	p0 =	seq.s32 s20, $0x0;
	[sflag:s30] =	ssyncadd.s32 $0xFFFF8000;
	s1 =	sadd.s32 s20, s1  }
0xce: {  	[hbm4b:s1+s3] =	stream.linear.scatter [tilespmem:s25], [sflag:$0x4], $0x8000, $0x38;
	[tilespmem:$0x1E400] =	vst v63  }
0xcf: {  	s1 =	simm.s32 @!p0 $0x6  }
0xd0: {  	_ =	swait.ge @!p0 [sflag:s1], $0x8000  }
0xd1: {  	[sflag:s1] =	ssyncset.done @!p0 $0x0  }
0xd2: {  	[sflag:s1] =	ssyncadd.s32 @!p0 $0xFFFF8000  }
0xd3: {  	v3 =	vld [tilespmem:s19+$0xFFFFFFC0];
	_ =	sdelay $0x4  }
0xd4: {  	v4 =	vshll.u32 v3, $0x1  }
0xd5: {  	v3 =	vand.u32 $0x7, v3;
	v4 =	vand.u32 $0xFFFFFFF0, v4  }
0xd6: {  	v3 =	vor.u32 v3, v4  }
0xd7: {  	v4 =	vperm.xlane v3, v0;
	_ =	sdelay $0x1  }
0xd8: {  	v3 =	vperm.xlane v3, v2;
	v4 =	vadd.s32 v1, v4;
	_ =	sdelay $0x1  }
0xd9: {  	v3 =	vadd.s32 v1, v3;
	_ =	sdelay $0x2  }
0xda: {  	[tilespmem:s9], [sflag:$0x3] =	stream.indirect_vreg.gather [hbm4b:s2+s3], $0x80, v4, vm0, $0xb8;
	[tilespmem:$0x1E400] =	vst v63  }
0xdb: {  	_ = 	snop  }
0xdc: {  	[tilespmem:s15], [sflag:$0x3] =	stream.indirect_vreg.gather [hbm4b:s2+s3], $0x80, v3, vm0, $0xb8;
	[tilespmem:$0x1E400] =	vst v63  }
0xdd: {  	v3 =	vld [tilespmem:s19+$0xFFFFFFD0];
	_ =	sdelay $0x4  }
0xde: {  	v41 =	vshll.u32 v3, $0x1  }
0xdf: {  	v3 =	vand.u32 $0x7, v3;
	v4 =	vand.u32 $0xFFFFFFF0, v41  }
0xe0: {  	v3 =	vor.u32 v3, v4  }
0xe1: {  	v4 =	vperm.xlane v3, v0;
	_ =	sdelay $0x1  }
0xe2: {  	v3 =	vperm.xlane v3, v2;
	v4 =	vadd.s32 v1, v4;
	_ =	sdelay $0x1  }
0xe3: {  	v3 =	vadd.s32 v1, v3;
	_ =	sdelay $0x2  }
0xe4: {  	[tilespmem:s26], [sflag:$0x3] =	stream.indirect_vreg.gather [hbm4b:s2+s3], $0x80, v4, vm0, $0xb8;
	[tilespmem:$0x1E400] =	vst v63  }
0xe5: {  	_ = 	snop  }
0xe6: {  	[tilespmem:s16], [sflag:$0x3] =	stream.indirect_vreg.gather [hbm4b:s2+s3], $0x80, v3, vm0, $0xb8;
	[tilespmem:$0x1E400] =	vst v63  }
0xe7: {  	v3 =	vld [tilespmem:s19+$0xFFFFFFE0];
	_ =	sdelay $0x4  }
0xe8: {  	v42 =	vshll.u32 v3, $0x1  }
0xe9: {  	v3 =	vand.u32 $0x7, v3;
	v4 =	vand.u32 $0xFFFFFFF0, v42  }
0xea: {  	v3 =	vor.u32 v3, v4  }
0xeb: {  	v4 =	vperm.xlane v3, v0;
	_ =	sdelay $0x1  }
0xec: {  	v3 =	vperm.xlane v3, v2;
	v4 =	vadd.s32 v1, v4;
	_ =	sdelay $0x1  }
0xed: {  	v3 =	vadd.s32 v1, v3;
	_ =	sdelay $0x1  }
0xee: {  	s1 =	simm.s32 $0x18400  }
0xef: {  	[tilespmem:s1], [sflag:$0x3] =	stream.indirect_vreg.gather [hbm4b:s2+s3], $0x80, v4, vm0, $0xb8;
	[tilespmem:$0x1E400] =	vst v63  }
0xf0: {  	_ = 	snop  }
0xf1: {  	[tilespmem:s31], [sflag:$0x3] =	stream.indirect_vreg.gather [hbm4b:s2+s3], $0x80, v3, vm0, $0xb8;
	[tilespmem:$0x1E400] =	vst v63  }
0xf2: {  	v3 =	vld [tilespmem:s19+$0xFFFFFFF0];
	_ =	sdelay $0x4  }
0xf3: {  	v43 =	vshll.u32 v3, $0x1  }
0xf4: {  	v3 =	vand.u32 $0x7, v3;
	v4 =	vand.u32 $0xFFFFFFF0, v43  }
0xf5: {  	v3 =	vor.u32 v3, v4  }
0xf6: {  	v4 =	vperm.xlane v3, v0;
	_ =	sdelay $0x1  }
0xf7: {  	v3 =	vperm.xlane v3, v2;
	v4 =	vadd.s32 v1, v4;
	_ =	sdelay $0x1  }
0xf8: {  	v3 =	vadd.s32 v1, v3;
	_ =	sdelay $0x1  }
0xf9: {  	s1 =	simm.s32 $0x19400  }
0xfa: {  	[tilespmem:s1], [sflag:$0x3] =	stream.indirect_vreg.gather [hbm4b:s2+s3], $0x80, v4, vm0, $0xb8;
	[tilespmem:$0x1E400] =	vst v63  }
0xfb: {  	s1 =	simm.s32 $0x19C00  }
0xfc: {  	[tilespmem:s1], [sflag:$0x3] =	stream.indirect_vreg.gather [hbm4b:s2+s3], $0x80, v3, vm0, $0xb8;
	[tilespmem:$0x1E400] =	vst v63  }
0xfd: {  	v3 =	vld [tilespmem:s19+$0x0];
	_ =	sdelay $0x4  }
0xfe: {  	v44 =	vshll.u32 v3, $0x1  }
0xff: {  	v3 =	vand.u32 $0x7, v3;
	v4 =	vand.u32 $0xFFFFFFF0, v44  }
0x100: {  	v3 =	vor.u32 v3, v4  }
0x101: {  	v4 =	vperm.xlane v3, v0;
	_ =	sdelay $0x1  }
0x102: {  	v3 =	vperm.xlane v3, v2;
	v4 =	vadd.s32 v1, v4;
	_ =	sdelay $0x1  }
0x103: {  	v3 =	vadd.s32 v1, v3;
	_ =	sdelay $0x1  }
0x104: {  	s1 =	simm.s32 $0x1A400  }
0x105: {  	[tilespmem:s1], [sflag:$0x3] =	stream.indirect_vreg.gather [hbm4b:s2+s3], $0x80, v4, vm0, $0xb8;
	[tilespmem:$0x1E400] =	vst v63  }
0x106: {  	s1 =	simm.s32 $0x1AC00  }
0x107: {  	[tilespmem:s1], [sflag:$0x3] =	stream.indirect_vreg.gather [hbm4b:s2+s3], $0x80, v3, vm0, $0xb8;
	[tilespmem:$0x1E400] =	vst v63  }
0x108: {  	v3 =	vld [tilespmem:s19+$0x10];
	_ =	sdelay $0x4  }
0x109: {  	v45 =	vshll.u32 v3, $0x1  }
0x10a: {  	v3 =	vand.u32 $0x7, v3;
	v4 =	vand.u32 $0xFFFFFFF0, v45  }
0x10b: {  	v3 =	vor.u32 v3, v4  }
0x10c: {  	v4 =	vperm.xlane v3, v0;
	_ =	sdelay $0x1  }
0x10d: {  	v3 =	vperm.xlane v3, v2;
	v4 =	vadd.s32 v1, v4;
	_ =	sdelay $0x1  }
0x10e: {  	v3 =	vadd.s32 v1, v3;
	_ =	sdelay $0x1  }
0x10f: {  	s1 =	simm.s32 $0x1B400  }
0x110: {  	[tilespmem:s1], [sflag:$0x3] =	stream.indirect_vreg.gather [hbm4b:s2+s3], $0x80, v4, vm0, $0xb8;
	[tilespmem:$0x1E400] =	vst v63  }
0x111: {  	s1 =	simm.s32 $0x1BC00  }
0x112: {  	[tilespmem:s1], [sflag:$0x3] =	stream.indirect_vreg.gather [hbm4b:s2+s3], $0x80, v3, vm0, $0xb8;
	[tilespmem:$0x1E400] =	vst v63  }
0x113: {  	v3 =	vld [tilespmem:s19+$0x20];
	_ =	sdelay $0x4  }
0x114: {  	v46 =	vshll.u32 v3, $0x1  }
0x115: {  	v3 =	vand.u32 $0x7, v3;
	v4 =	vand.u32 $0xFFFFFFF0, v46  }
0x116: {  	v3 =	vor.u32 v3, v4  }
0x117: {  	v4 =	vperm.xlane v3, v0;
	_ =	sdelay $0x1  }
0x118: {  	v3 =	vperm.xlane v3, v2;
	v4 =	vadd.s32 v1, v4;
	_ =	sdelay $0x1  }
0x119: {  	v3 =	vadd.s32 v1, v3;
	_ =	sdelay $0x1  }
0x11a: {  	s1 =	simm.s32 $0x1C400  }
0x11b: {  	[tilespmem:s1], [sflag:$0x3] =	stream.indirect_vreg.gather [hbm4b:s2+s3], $0x80, v4, vm0, $0xb8;
	[tilespmem:$0x1E400] =	vst v63  }
0x11c: {  	s1 =	simm.s32 $0x1CC00  }
0x11d: {  	[tilespmem:s1], [sflag:$0x3] =	stream.indirect_vreg.gather [hbm4b:s2+s3], $0x80, v3, vm0, $0xb8;
	[tilespmem:$0x1E400] =	vst v63  }
0x11e: {  	v3 =	vld [tilespmem:s19+$0x30];
	_ =	sdelay $0x4  }
0x11f: {  	v47 =	vshll.u32 v3, $0x1  }
0x120: {  	v3 =	vand.u32 $0x7, v3;
	v4 =	vand.u32 $0xFFFFFFF0, v47  }
0x121: {  	v3 =	vor.u32 v3, v4  }
0x122: {  	v4 =	vperm.xlane v3, v0;
	_ =	sdelay $0x1  }
0x123: {  	v3 =	vperm.xlane v3, v2;
	v4 =	vadd.s32 v1, v4;
	_ =	sdelay $0x1  }
0x124: {  	v3 =	vadd.s32 v1, v3;
	_ =	sdelay $0x1  }
0x125: {  	s1 =	simm.s32 $0x1D400  }
0x126: {  	[tilespmem:s1], [sflag:$0x3] =	stream.indirect_vreg.gather [hbm4b:s2+s3], $0x80, v4, vm0, $0xb8;
	[tilespmem:$0x1E400] =	vst v63  }
0x127: {  	s1 =	simm.s32 $0x1DC00  }
0x128: {  	[tilespmem:s1], [sflag:$0x3] =	stream.indirect_vreg.gather [hbm4b:s2+s3], $0x80, v3, vm0, $0xb8;
	[tilespmem:$0x1E400] =	vst v63  }
0x129: {  	_ =	swait.ge [sflag:s28], $0x8000  }
0x12a: {  	s1 =	rddreg [dreg:$0x4];
	[sflag:s28] =	ssyncset.done $0x0  }
0x12b: {  	s31 =	simm.s32 $0xE400;
	[sflag:s28] =	ssyncadd.s32 $0xFFFF8000;
	s1 =	sadd.s32 s20, s1  }
0x12c: {  	[hbm4b:s1+s3] =	stream.linear.scatter [tilespmem:s31], [sflag:$0x5], $0x8000, $0x38;
	[tilespmem:$0x1E400] =	vst v63  }
0x12d: {  	_ =	swait.ge [sflag:s17], $0x8000  }
0x12e: {  	[sflag:s17] =	ssyncset.done $0x0  }
0x12f: {  	[sflag:s17] =	ssyncadd.s32 $0xFFFF8000  }
0x130: {  	v3 =	vld [tilespmem:s19+$0x40];
	_ =	sdelay $0x4  }
0x131: {  	v48 =	vshll.u32 v3, $0x1  }
0x132: {  	v3 =	vand.u32 $0x7, v3;
	v4 =	vand.u32 $0xFFFFFFF0, v48  }
0x133: {  	v3 =	vor.u32 v3, v4  }
0x134: {  	v4 =	vperm.xlane v3, v0;
	_ =	sdelay $0x1  }
0x135: {  	v3 =	vperm.xlane v3, v2;
	v4 =	vadd.s32 v1, v4;
	_ =	sdelay $0x1  }
0x136: {  	v3 =	vadd.s32 v1, v3;
	_ =	sdelay $0x2  }
0x137: {  	[tilespmem:s25], [sflag:$0x1] =	stream.indirect_vreg.gather [hbm4b:s2+s3], $0x80, v4, vm0, $0xb8;
	[tilespmem:$0x1E400] =	vst v63  }
0x138: {  	s25 =	simm.s32 $0x6C00  }
0x139: {  	[tilespmem:s25], [sflag:$0x1] =	stream.indirect_vreg.gather [hbm4b:s2+s3], $0x80, v3, vm0, $0xb8;
	[tilespmem:$0x1E400] =	vst v63  }
0x13a: {  	v3 =	vld [tilespmem:s19+$0x50];
	_ =	sdelay $0x4  }
0x13b: {  	v49 =	vshll.u32 v3, $0x1  }
0x13c: {  	v3 =	vand.u32 $0x7, v3;
	v4 =	vand.u32 $0xFFFFFFF0, v49  }
0x13d: {  	v3 =	vor.u32 v3, v4  }
0x13e: {  	v4 =	vperm.xlane v3, v0;
	_ =	sdelay $0x1  }
0x13f: {  	v3 =	vperm.xlane v3, v2;
	v4 =	vadd.s32 v1, v4;
	_ =	sdelay $0x1  }
0x140: {  	v3 =	vadd.s32 v1, v3;
	_ =	sdelay $0x1  }
0x141: {  	s25 =	simm.s32 $0x7400  }
0x142: {  	[tilespmem:s25], [sflag:$0x1] =	stream.indirect_vreg.gather [hbm4b:s2+s3], $0x80, v4, vm0, $0xb8;
	[tilespmem:$0x1E400] =	vst v63  }
0x143: {  	s25 =	simm.s32 $0x7C00  }
0x144: {  	[tilespmem:s25], [sflag:$0x1] =	stream.indirect_vreg.gather [hbm4b:s2+s3], $0x80, v3, vm0, $0xb8;
	[tilespmem:$0x1E400] =	vst v63  }
0x145: {  	v3 =	vld [tilespmem:s19+$0x60];
	_ =	sdelay $0x4  }
0x146: {  	v50 =	vshll.u32 v3, $0x1  }
0x147: {  	v3 =	vand.u32 $0x7, v3;
	v4 =	vand.u32 $0xFFFFFFF0, v50  }
0x148: {  	v3 =	vor.u32 v3, v4  }
0x149: {  	v4 =	vperm.xlane v3, v0;
	_ =	sdelay $0x1  }
0x14a: {  	v3 =	vperm.xlane v3, v2;
	v4 =	vadd.s32 v1, v4;
	_ =	sdelay $0x1  }
0x14b: {  	v3 =	vadd.s32 v1, v3;
	_ =	sdelay $0x1  }
0x14c: {  	s25 =	simm.s32 $0x8400  }
0x14d: {  	[tilespmem:s25], [sflag:$0x1] =	stream.indirect_vreg.gather [hbm4b:s2+s3], $0x80, v4, vm0, $0xb8;
	[tilespmem:$0x1E400] =	vst v63  }
0x14e: {  	s25 =	simm.s32 $0x8C00  }
0x14f: {  	[tilespmem:s25], [sflag:$0x1] =	stream.indirect_vreg.gather [hbm4b:s2+s3], $0x80, v3, vm0, $0xb8;
	[tilespmem:$0x1E400] =	vst v63  }
0x150: {  	v3 =	vld [tilespmem:s19+$0x70];
	_ =	sdelay $0x4  }
0x151: {  	v51 =	vshll.u32 v3, $0x1  }
0x152: {  	v3 =	vand.u32 $0x7, v3;
	v4 =	vand.u32 $0xFFFFFFF0, v51  }
0x153: {  	v3 =	vor.u32 v3, v4  }
0x154: {  	v4 =	vperm.xlane v3, v0;
	_ =	sdelay $0x1  }
0x155: {  	v3 =	vperm.xlane v3, v2;
	v4 =	vadd.s32 v1, v4;
	_ =	sdelay $0x1  }
0x156: {  	v3 =	vadd.s32 v1, v3;
	_ =	sdelay $0x1  }
0x157: {  	s25 =	simm.s32 $0x9400  }
0x158: {  	[tilespmem:s25], [sflag:$0x1] =	stream.indirect_vreg.gather [hbm4b:s2+s3], $0x80, v4, vm0, $0xb8;
	[tilespmem:$0x1E400] =	vst v63  }
0x159: {  	s25 =	simm.s32 $0x9C00  }
0x15a: {  	[tilespmem:s25], [sflag:$0x1] =	stream.indirect_vreg.gather [hbm4b:s2+s3], $0x80, v3, vm0, $0xb8;
	[tilespmem:$0x1E400] =	vst v63  }
0x15b: {  	v3 =	vld [tilespmem:s19+$0x80];
	_ =	sdelay $0x4  }
0x15c: {  	v52 =	vshll.u32 v3, $0x1  }
0x15d: {  	v3 =	vand.u32 $0x7, v3;
	v4 =	vand.u32 $0xFFFFFFF0, v52  }
0x15e: {  	v3 =	vor.u32 v3, v4  }
0x15f: {  	v4 =	vperm.xlane v3, v0;
	_ =	sdelay $0x1  }
0x160: {  	v3 =	vperm.xlane v3, v2;
	v4 =	vadd.s32 v1, v4;
	_ =	sdelay $0x1  }
0x161: {  	v3 =	vadd.s32 v1, v3;
	_ =	sdelay $0x1  }
0x162: {  	s25 =	simm.s32 $0xA400  }
0x163: {  	[tilespmem:s25], [sflag:$0x1] =	stream.indirect_vreg.gather [hbm4b:s2+s3], $0x80, v4, vm0, $0xb8;
	[tilespmem:$0x1E400] =	vst v63  }
0x164: {  	s25 =	simm.s32 $0xAC00  }
0x165: {  	[tilespmem:s25], [sflag:$0x1] =	stream.indirect_vreg.gather [hbm4b:s2+s3], $0x80, v3, vm0, $0xb8;
	[tilespmem:$0x1E400] =	vst v63  }
0x166: {  	v3 =	vld [tilespmem:s19+$0x90];
	_ =	sdelay $0x4  }
0x167: {  	v53 =	vshll.u32 v3, $0x1  }
0x168: {  	v3 =	vand.u32 $0x7, v3;
	v4 =	vand.u32 $0xFFFFFFF0, v53  }
0x169: {  	v3 =	vor.u32 v3, v4  }
0x16a: {  	v4 =	vperm.xlane v3, v0;
	_ =	sdelay $0x1  }
0x16b: {  	v3 =	vperm.xlane v3, v2;
	v4 =	vadd.s32 v1, v4;
	_ =	sdelay $0x1  }
0x16c: {  	v3 =	vadd.s32 v1, v3;
	_ =	sdelay $0x1  }
0x16d: {  	s25 =	simm.s32 $0xB400  }
0x16e: {  	[tilespmem:s25], [sflag:$0x1] =	stream.indirect_vreg.gather [hbm4b:s2+s3], $0x80, v4, vm0, $0xb8;
	[tilespmem:$0x1E400] =	vst v63  }
0x16f: {  	s25 =	simm.s32 $0xBC00  }
0x170: {  	[tilespmem:s25], [sflag:$0x1] =	stream.indirect_vreg.gather [hbm4b:s2+s3], $0x80, v3, vm0, $0xb8;
	[tilespmem:$0x1E400] =	vst v63  }
0x171: {  	v3 =	vld [tilespmem:s19+$0xA0];
	_ =	sdelay $0x4  }
0x172: {  	v54 =	vshll.u32 v3, $0x1  }
0x173: {  	v3 =	vand.u32 $0x7, v3;
	v4 =	vand.u32 $0xFFFFFFF0, v54  }
0x174: {  	v3 =	vor.u32 v3, v4  }
0x175: {  	v4 =	vperm.xlane v3, v0;
	_ =	sdelay $0x1  }
0x176: {  	v3 =	vperm.xlane v3, v2;
	v4 =	vadd.s32 v1, v4;
	_ =	sdelay $0x1  }
0x177: {  	v3 =	vadd.s32 v1, v3;
	_ =	sdelay $0x1  }
0x178: {  	s25 =	simm.s32 $0xC400  }
0x179: {  	[tilespmem:s25], [sflag:$0x1] =	stream.indirect_vreg.gather [hbm4b:s2+s3], $0x80, v4, vm0, $0xb8;
	[tilespmem:$0x1E400] =	vst v63  }
0x17a: {  	s25 =	simm.s32 $0xCC00  }
0x17b: {  	[tilespmem:s25], [sflag:$0x1] =	stream.indirect_vreg.gather [hbm4b:s2+s3], $0x80, v3, vm0, $0xb8;
	[tilespmem:$0x1E400] =	vst v63  }
0x17c: {  	v3 =	vld [tilespmem:s19+$0xB0];
	_ =	sdelay $0x4  }
0x17d: {  	v55 =	vshll.u32 v3, $0x1  }
0x17e: {  	v3 =	vand.u32 $0x7, v3;
	v4 =	vand.u32 $0xFFFFFFF0, v55  }
0x17f: {  	v3 =	vor.u32 v3, v4  }
0x180: {  	v4 =	vperm.xlane v3, v0;
	_ =	sdelay $0x1  }
0x181: {  	v3 =	vperm.xlane v3, v2;
	v4 =	vadd.s32 v1, v4;
	_ =	sdelay $0x1  }
0x182: {  	v3 =	vadd.s32 v1, v3;
	_ =	sdelay $0x1  }
0x183: {  	s25 =	simm.s32 $0xD400  }
0x184: {  	[tilespmem:s25], [sflag:$0x1] =	stream.indirect_vreg.gather [hbm4b:s2+s3], $0x80, v4, vm0, $0xb8;
	[tilespmem:$0x1E400] =	vst v63  }
0x185: {  	s25 =	simm.s32 $0xDC00  }
0x186: {  	[tilespmem:s25], [sflag:$0x1] =	stream.indirect_vreg.gather [hbm4b:s2+s3], $0x80, v3, vm0, $0xb8;
	[tilespmem:$0x1E400] =	vst v63  }
0x187: {  	_ =	swait.ge [sflag:s29], $0x8000  }
0x188: {  	s25 =	rddreg [dreg:$0x6];
	[sflag:s29] =	ssyncset.done $0x0  }
0x189: {  	[sflag:s29] =	ssyncadd.s32 $0xFFFF8000;
	s1 =	sadd.s32 s20, s25  }
0x18a: {  	[hbm4b:s1+s3] =	stream.linear.scatter [tilespmem:s9], [sflag:$0x6], $0x8000, $0x38;
	[tilespmem:$0x1E400] =	vst v63  }
0x18b: {  	_ =	swait.ge [sflag:s18], $0x8000  }
0x18c: {  	[sflag:s18] =	ssyncset.done $0x0  }
0x18d: {  	[sflag:s18] =	ssyncadd.s32 $0xFFFF8000  }
0x18e: {  	v3 =	vld [tilespmem:s19+$0xC0];
	_ =	sdelay $0x4  }
0x18f: {  	v56 =	vshll.u32 v3, $0x1  }
0x190: {  	v3 =	vand.u32 $0x7, v3;
	v4 =	vand.u32 $0xFFFFFFF0, v56  }
0x191: {  	v3 =	vor.u32 v3, v4  }
0x192: {  	v4 =	vperm.xlane v3, v0;
	_ =	sdelay $0x1  }
0x193: {  	v3 =	vperm.xlane v3, v2;
	v4 =	vadd.s32 v1, v4;
	_ =	sdelay $0x1  }
0x194: {  	v3 =	vadd.s32 v1, v3;
	_ =	sdelay $0x2  }
0x195: {  	[tilespmem:s31], [sflag:$0x2] =	stream.indirect_vreg.gather [hbm4b:s2+s3], $0x80, v4, vm0, $0xb8;
	[tilespmem:$0x1E400] =	vst v63  }
0x196: {  	_ = 	snop  }
0x197: {  	[tilespmem:s21], [sflag:$0x2] =	stream.indirect_vreg.gather [hbm4b:s2+s3], $0x80, v3, vm0, $0xb8;
	[tilespmem:$0x1E400] =	vst v63  }
0x198: {  	v3 =	vld [tilespmem:s19+$0xD0];
	_ =	sdelay $0x4  }
0x199: {  	v57 =	vshll.u32 v3, $0x1  }
0x19a: {  	v3 =	vand.u32 $0x7, v3;
	v4 =	vand.u32 $0xFFFFFFF0, v57  }
0x19b: {  	v3 =	vor.u32 v3, v4  }
0x19c: {  	v4 =	vperm.xlane v3, v0;
	_ =	sdelay $0x1  }
0x19d: {  	v3 =	vperm.xlane v3, v2;
	v4 =	vadd.s32 v1, v4;
	_ =	sdelay $0x1  }
0x19e: {  	v3 =	vadd.s32 v1, v3;
	_ =	sdelay $0x2  }
0x19f: {  	[tilespmem:s0], [sflag:$0x2] =	stream.indirect_vreg.gather [hbm4b:s2+s3], $0x80, v4, vm0, $0xb8;
	[tilespmem:$0x1E400] =	vst v63  }
0x1a0: {  	_ = 	snop  }
0x1a1: {  	[tilespmem:s22], [sflag:$0x2] =	stream.indirect_vreg.gather [hbm4b:s2+s3], $0x80, v3, vm0, $0xb8;
	[tilespmem:$0x1E400] =	vst v63  }
0x1a2: {  	v3 =	vld [tilespmem:s19+$0xE0];
	_ =	sdelay $0x4  }
0x1a3: {  	v58 =	vshll.u32 v3, $0x1  }
0x1a4: {  	v3 =	vand.u32 $0x7, v3;
	v4 =	vand.u32 $0xFFFFFFF0, v58  }
0x1a5: {  	v3 =	vor.u32 v3, v4  }
0x1a6: {  	v4 =	vperm.xlane v3, v0;
	_ =	sdelay $0x1  }
0x1a7: {  	v3 =	vperm.xlane v3, v2;
	v4 =	vadd.s32 v1, v4;
	_ =	sdelay $0x1  }
0x1a8: {  	v3 =	vadd.s32 v1, v3;
	_ =	sdelay $0x2  }
0x1a9: {  	[tilespmem:s10], [sflag:$0x2] =	stream.indirect_vreg.gather [hbm4b:s2+s3], $0x80, v4, vm0, $0xb8;
	[tilespmem:$0x1E400] =	vst v63  }
0x1aa: {  	_ = 	snop  }
0x1ab: {  	[tilespmem:s23], [sflag:$0x2] =	stream.indirect_vreg.gather [hbm4b:s2+s3], $0x80, v3, vm0, $0xb8;
	[tilespmem:$0x1E400] =	vst v63  }
0x1ac: {  	v3 =	vld [tilespmem:s19+$0xF0];
	_ =	sdelay $0x4  }
0x1ad: {  	v59 =	vshll.u32 v3, $0x1  }
0x1ae: {  	v3 =	vand.u32 $0x7, v3;
	v4 =	vand.u32 $0xFFFFFFF0, v59  }
0x1af: {  	v3 =	vor.u32 v3, v4  }
0x1b0: {  	v4 =	vperm.xlane v3, v0;
	_ =	sdelay $0x1  }
0x1b1: {  	v3 =	vperm.xlane v3, v2;
	v4 =	vadd.s32 v1, v4;
	_ =	sdelay $0x1  }
0x1b2: {  	v3 =	vadd.s32 v1, v3;
	_ =	sdelay $0x2  }
0x1b3: {  	[tilespmem:s4], [sflag:$0x2] =	stream.indirect_vreg.gather [hbm4b:s2+s3], $0x80, v4, vm0, $0xb8;
	[tilespmem:$0x1E400] =	vst v63  }
0x1b4: {  	_ = 	snop  }
0x1b5: {  	[tilespmem:s24], [sflag:$0x2] =	stream.indirect_vreg.gather [hbm4b:s2+s3], $0x80, v3, vm0, $0xb8;
	[tilespmem:$0x1E400] =	vst v63  }
0x1b6: {  	v3 =	vld [tilespmem:s19+$0x100];
	_ =	sdelay $0x4  }
0x1b7: {  	v60 =	vshll.u32 v3, $0x1  }
0x1b8: {  	v3 =	vand.u32 $0x7, v3;
	v4 =	vand.u32 $0xFFFFFFF0, v60  }
0x1b9: {  	v3 =	vor.u32 v3, v4  }
0x1ba: {  	v4 =	vperm.xlane v3, v0;
	_ =	sdelay $0x1  }
0x1bb: {  	v3 =	vperm.xlane v3, v2;
	v4 =	vadd.s32 v1, v4;
	_ =	sdelay $0x1  }
0x1bc: {  	v3 =	vadd.s32 v1, v3;
	_ =	sdelay $0x2  }
0x1bd: {  	[tilespmem:s11], [sflag:$0x2] =	stream.indirect_vreg.gather [hbm4b:s2+s3], $0x80, v4, vm0, $0xb8;
	[tilespmem:$0x1E400] =	vst v63  }
0x1be: {  	_ = 	snop  }
0x1bf: {  	[tilespmem:s5], [sflag:$0x2] =	stream.indirect_vreg.gather [hbm4b:s2+s3], $0x80, v3, vm0, $0xb8;
	[tilespmem:$0x1E400] =	vst v63  }
0x1c0: {  	v3 =	vld [tilespmem:s19+$0x110];
	_ =	sdelay $0x4  }
0x1c1: {  	v61 =	vshll.u32 v3, $0x1  }
0x1c2: {  	v3 =	vand.u32 $0x7, v3;
	v4 =	vand.u32 $0xFFFFFFF0, v61  }
0x1c3: {  	v3 =	vor.u32 v3, v4  }
0x1c4: {  	v4 =	vperm.xlane v3, v0;
	_ =	sdelay $0x1  }
0x1c5: {  	v3 =	vperm.xlane v3, v2;
	v4 =	vadd.s32 v1, v4;
	_ =	sdelay $0x1  }
0x1c6: {  	v3 =	vadd.s32 v1, v3;
	_ =	sdelay $0x2  }
0x1c7: {  	[tilespmem:s12], [sflag:$0x2] =	stream.indirect_vreg.gather [hbm4b:s2+s3], $0x80, v4, vm0, $0xb8;
	[tilespmem:$0x1E400] =	vst v63  }
0x1c8: {  	_ = 	snop  }
0x1c9: {  	[tilespmem:s6], [sflag:$0x2] =	stream.indirect_vreg.gather [hbm4b:s2+s3], $0x80, v3, vm0, $0xb8;
	[tilespmem:$0x1E400] =	vst v63  }
0x1ca: {  	v3 =	vld [tilespmem:s19+$0x120];
	_ =	sdelay $0x4  }
0x1cb: {  	v62 =	vshll.u32 v3, $0x1  }
0x1cc: {  	v3 =	vand.u32 $0x7, v3;
	v4 =	vand.u32 $0xFFFFFFF0, v62  }
0x1cd: {  	v3 =	vor.u32 v3, v4  }
0x1ce: {  	v4 =	vperm.xlane v3, v0;
	_ =	sdelay $0x1  }
0x1cf: {  	v3 =	vperm.xlane v3, v2;
	v4 =	vadd.s32 v1, v4;
	_ =	sdelay $0x1  }
0x1d0: {  	v3 =	vadd.s32 v1, v3;
	_ =	sdelay $0x2  }
0x1d1: {  	[tilespmem:s13], [sflag:$0x2] =	stream.indirect_vreg.gather [hbm4b:s2+s3], $0x80, v4, vm0, $0xb8;
	[tilespmem:$0x1E400] =	vst v63  }
0x1d2: {  	_ = 	snop  }
0x1d3: {  	[tilespmem:s7], [sflag:$0x2] =	stream.indirect_vreg.gather [hbm4b:s2+s3], $0x80, v3, vm0, $0xb8;
	[tilespmem:$0x1E400] =	vst v63  }
0x1d4: {  	v3 =	vld [tilespmem:s19+$0x130];
	_ =	sdelay $0x4  }
0x1d5: {  	v63 =	vshll.u32 v3, $0x1  }
0x1d6: {  	v3 =	vand.u32 $0x7, v3;
	v4 =	vand.u32 $0xFFFFFFF0, v63  }
0x1d7: {  	v3 =	vor.u32 v3, v4  }
0x1d8: {  	v4 =	vperm.xlane v3, v0;
	_ =	sdelay $0x1  }
0x1d9: {  	v3 =	vperm.xlane v3, v2;
	v4 =	vadd.s32 v1, v4  }
0x1da: {  	s20 =	sadd.s32 $0x3000, s20  }
0x1db: {  	p0 =	sne.s32 s20, $0xC6000;
	v3 =	vadd.s32 v1, v3  }
.Ltmp0:
0x1dc: {  	_ = 	snop;
	(pc) =	sbr.rel @p0 .LBB2_2-.Ltmp0, $4  }
0x1dd: {  	_ = 	snop  }
0x1de: {  	[tilespmem:s14], [sflag:$0x2] =	stream.indirect_vreg.gather [hbm4b:s2+s3], $0x80, v4, vm0, $0xb8;
	[tilespmem:$0x1E400] =	vst v63  }
0x1df: {  	s25 =	simm.s32 $0xE400;
	s31 =	simm.s32 $0x18C00;
	s19 =	sadd.s32 $0x180, s19  }
0x1e0: {  	[tilespmem:s8], [sflag:$0x2] =	stream.indirect_vreg.gather [hbm4b:s2+s3], $0x80, v3, vm0, $0xb8;
	[tilespmem:$0x1E400] =	vst v63  }
0x1e1: {  	_ =	swait.ge [sflag:s30], $0x8000  }
0x1e2: {  	s0 =	simm.s32 $0x6400;
	[sflag:s30] =	ssyncset.done $0x0  }
0x1e3: {  	s6 =	simm.s32 $0x6;
	s1 =	rddreg [dreg:$0x8];
	[sflag:s30] =	ssyncadd.s32 $0xFFFF8000  }
0x1e4: {  	[hbm4b:s1+s3] =	stream.linear.scatter [tilespmem:s0], [sflag:$0x4], $0x8000, $0x38;
	[tilespmem:$0x1E400] =	vst v63  }
0x1e5: {  	_ =	swait.ge [sflag:s6], $0x8000  }
0x1e6: {  	[sflag:s6] =	ssyncset.done $0x0  }
0x1e7: {  	[sflag:s6] =	ssyncadd.s32 $0xFFFF8000  }
0x1e8: {  	v3 =	vld [tilespmem:$0x6380];
	_ =	sdelay $0x4  }
0x1e9: {  	v4 =	vshll.u32 v3, $0x1  }
0x1ea: {  	v3 =	vand.u32 $0x7, v3;
	v4 =	vand.u32 $0xFFFFFFF0, v4  }
0x1eb: {  	v3 =	vor.u32 v3, v4  }
0x1ec: {  	v4 =	vperm.xlane v3, v0;
	_ =	sdelay $0x1  }
0x1ed: {  	v3 =	vperm.xlane v3, v2;
	v4 =	vadd.s32 v1, v4;
	_ =	sdelay $0x1  }
0x1ee: {  	v3 =	vadd.s32 v1, v3;
	_ =	sdelay $0x2  }
0x1ef: {  	[tilespmem:s9], [sflag:$0x3] =	stream.indirect_vreg.gather [hbm4b:s2+s3], $0x80, v4, vm0, $0xb8;
	[tilespmem:$0x1E400] =	vst v63  }
0x1f0: {  	_ = 	snop  }
0x1f1: {  	[tilespmem:s15], [sflag:$0x3] =	stream.indirect_vreg.gather [hbm4b:s2+s3], $0x80, v3, vm0, $0xb8;
	[tilespmem:$0x1E400] =	vst v63  }
0x1f2: {  	v3 =	vld [tilespmem:$0x6390];
	_ =	sdelay $0x4  }
0x1f3: {  	v49 =	vshll.u32 v3, $0x1  }
0x1f4: {  	v3 =	vand.u32 $0x7, v3;
	v4 =	vand.u32 $0xFFFFFFF0, v49  }
0x1f5: {  	v3 =	vor.u32 v3, v4  }
0x1f6: {  	v4 =	vperm.xlane v3, v0;
	_ =	sdelay $0x1  }
0x1f7: {  	v3 =	vperm.xlane v3, v2;
	v4 =	vadd.s32 v1, v4;
	_ =	sdelay $0x1  }
0x1f8: {  	v3 =	vadd.s32 v1, v3;
	_ =	sdelay $0x2  }
0x1f9: {  	[tilespmem:s26], [sflag:$0x3] =	stream.indirect_vreg.gather [hbm4b:s2+s3], $0x80, v4, vm0, $0xb8;
	[tilespmem:$0x1E400] =	vst v63  }
0x1fa: {  	_ = 	snop  }
0x1fb: {  	[tilespmem:s16], [sflag:$0x3] =	stream.indirect_vreg.gather [hbm4b:s2+s3], $0x80, v3, vm0, $0xb8;
	[tilespmem:$0x1E400] =	vst v63  }
0x1fc: {  	v3 =	vld [tilespmem:$0x63A0];
	_ =	sdelay $0x4  }
0x1fd: {  	v50 =	vshll.u32 v3, $0x1  }
0x1fe: {  	v3 =	vand.u32 $0x7, v3;
	v4 =	vand.u32 $0xFFFFFFF0, v50  }
0x1ff: {  	v3 =	vor.u32 v3, v4  }
0x200: {  	v4 =	vperm.xlane v3, v0;
	_ =	sdelay $0x1  }
0x201: {  	v3 =	vperm.xlane v3, v2;
	v4 =	vadd.s32 v1, v4;
	_ =	sdelay $0x1  }
0x202: {  	v3 =	vadd.s32 v1, v3;
	_ =	sdelay $0x1  }
0x203: {  	s7 =	simm.s32 $0x18400  }
0x204: {  	[tilespmem:s7], [sflag:$0x3] =	stream.indirect_vreg.gather [hbm4b:s2+s3], $0x80, v4, vm0, $0xb8;
	[tilespmem:$0x1E400] =	vst v63  }
0x205: {  	_ = 	snop  }
0x206: {  	[tilespmem:s31], [sflag:$0x3] =	stream.indirect_vreg.gather [hbm4b:s2+s3], $0x80, v3, vm0, $0xb8;
	[tilespmem:$0x1E400] =	vst v63  }
0x207: {  	v3 =	vld [tilespmem:$0x63B0];
	_ =	sdelay $0x4  }
0x208: {  	v51 =	vshll.u32 v3, $0x1  }
0x209: {  	v3 =	vand.u32 $0x7, v3;
	v4 =	vand.u32 $0xFFFFFFF0, v51  }
0x20a: {  	v3 =	vor.u32 v3, v4  }
0x20b: {  	v4 =	vperm.xlane v3, v0;
	_ =	sdelay $0x1  }
0x20c: {  	v3 =	vperm.xlane v3, v2;
	v4 =	vadd.s32 v1, v4;
	_ =	sdelay $0x1  }
0x20d: {  	v3 =	vadd.s32 v1, v3;
	_ =	sdelay $0x1  }
0x20e: {  	s8 =	simm.s32 $0x19400  }
0x20f: {  	[tilespmem:s8], [sflag:$0x3] =	stream.indirect_vreg.gather [hbm4b:s2+s3], $0x80, v4, vm0, $0xb8;
	[tilespmem:$0x1E400] =	vst v63  }
0x210: {  	s9 =	simm.s32 $0x19C00  }
0x211: {  	[tilespmem:s9], [sflag:$0x3] =	stream.indirect_vreg.gather [hbm4b:s2+s3], $0x80, v3, vm0, $0xb8;
	[tilespmem:$0x1E400] =	vst v63  }
0x212: {  	v3 =	vld [tilespmem:$0x63C0];
	_ =	sdelay $0x4  }
0x213: {  	v52 =	vshll.u32 v3, $0x1  }
0x214: {  	v3 =	vand.u32 $0x7, v3;
	v4 =	vand.u32 $0xFFFFFFF0, v52  }
0x215: {  	v3 =	vor.u32 v3, v4  }
0x216: {  	v4 =	vperm.xlane v3, v0;
	_ =	sdelay $0x1  }
0x217: {  	v3 =	vperm.xlane v3, v2;
	v4 =	vadd.s32 v1, v4;
	_ =	sdelay $0x1  }
0x218: {  	v3 =	vadd.s32 v1, v3;
	_ =	sdelay $0x1  }
0x219: {  	s10 =	simm.s32 $0x1A400  }
0x21a: {  	[tilespmem:s10], [sflag:$0x3] =	stream.indirect_vreg.gather [hbm4b:s2+s3], $0x80, v4, vm0, $0xb8;
	[tilespmem:$0x1E400] =	vst v63  }
0x21b: {  	s11 =	simm.s32 $0x1AC00  }
0x21c: {  	[tilespmem:s11], [sflag:$0x3] =	stream.indirect_vreg.gather [hbm4b:s2+s3], $0x80, v3, vm0, $0xb8;
	[tilespmem:$0x1E400] =	vst v63  }
0x21d: {  	v3 =	vld [tilespmem:$0x63D0];
	_ =	sdelay $0x4  }
0x21e: {  	v53 =	vshll.u32 v3, $0x1  }
0x21f: {  	v3 =	vand.u32 $0x7, v3;
	v4 =	vand.u32 $0xFFFFFFF0, v53  }
0x220: {  	v3 =	vor.u32 v3, v4  }
0x221: {  	v4 =	vperm.xlane v3, v0;
	_ =	sdelay $0x1  }
0x222: {  	v3 =	vperm.xlane v3, v2;
	v4 =	vadd.s32 v1, v4;
	_ =	sdelay $0x1  }
0x223: {  	v3 =	vadd.s32 v1, v3;
	_ =	sdelay $0x1  }
0x224: {  	s12 =	simm.s32 $0x1B400  }
0x225: {  	[tilespmem:s12], [sflag:$0x3] =	stream.indirect_vreg.gather [hbm4b:s2+s3], $0x80, v4, vm0, $0xb8;
	[tilespmem:$0x1E400] =	vst v63  }
0x226: {  	s13 =	simm.s32 $0x1BC00  }
0x227: {  	[tilespmem:s13], [sflag:$0x3] =	stream.indirect_vreg.gather [hbm4b:s2+s3], $0x80, v3, vm0, $0xb8;
	[tilespmem:$0x1E400] =	vst v63  }
0x228: {  	v3 =	vld [tilespmem:$0x63E0];
	_ =	sdelay $0x4  }
0x229: {  	v54 =	vshll.u32 v3, $0x1  }
0x22a: {  	v3 =	vand.u32 $0x7, v3;
	v4 =	vand.u32 $0xFFFFFFF0, v54  }
0x22b: {  	v3 =	vor.u32 v3, v4  }
0x22c: {  	v4 =	vperm.xlane v3, v0;
	_ =	sdelay $0x1  }
0x22d: {  	v3 =	vperm.xlane v3, v2;
	v4 =	vadd.s32 v1, v4;
	_ =	sdelay $0x1  }
0x22e: {  	v3 =	vadd.s32 v1, v3;
	_ =	sdelay $0x1  }
0x22f: {  	s14 =	simm.s32 $0x1C400  }
0x230: {  	[tilespmem:s14], [sflag:$0x3] =	stream.indirect_vreg.gather [hbm4b:s2+s3], $0x80, v4, vm0, $0xb8;
	[tilespmem:$0x1E400] =	vst v63  }
0x231: {  	s15 =	simm.s32 $0x1CC00  }
0x232: {  	[tilespmem:s15], [sflag:$0x3] =	stream.indirect_vreg.gather [hbm4b:s2+s3], $0x80, v3, vm0, $0xb8;
	[tilespmem:$0x1E400] =	vst v63  }
0x233: {  	v3 =	vld [tilespmem:$0x63F0];
	_ =	sdelay $0x4  }
0x234: {  	v55 =	vshll.u32 v3, $0x1  }
0x235: {  	v3 =	vand.u32 $0x7, v3;
	v4 =	vand.u32 $0xFFFFFFF0, v55  }
0x236: {  	v3 =	vor.u32 v3, v4  }
0x237: {  	v4 =	vperm.xlane v3, v0;
	_ =	sdelay $0x1  }
0x238: {  	v3 =	vperm.xlane v3, v2;
	v4 =	vadd.s32 v1, v4;
	_ =	sdelay $0x1  }
0x239: {  	v3 =	vadd.s32 v1, v3;
	_ =	sdelay $0x1  }
0x23a: {  	s19 =	simm.s32 $0x1D400  }
0x23b: {  	[tilespmem:s19], [sflag:$0x3] =	stream.indirect_vreg.gather [hbm4b:s2+s3], $0x80, v4, vm0, $0xb8;
	[tilespmem:$0x1E400] =	vst v63  }
0x23c: {  	s20 =	simm.s32 $0x1DC00  }
0x23d: {  	[tilespmem:s20], [sflag:$0x3] =	stream.indirect_vreg.gather [hbm4b:s2+s3], $0x80, v3, vm0, $0xb8;
	[tilespmem:$0x1E400] =	vst v63  }
0x23e: {  	_ =	swait.ge [sflag:s28], $0x8000  }
0x23f: {  	[sflag:s28] =	ssyncset.done $0x0  }
0x240: {  	s21 =	rddreg [dreg:$0x9];
	[sflag:s28] =	ssyncadd.s32 $0xFFFF8000  }
0x241: {  	[hbm4b:s21+s3] =	stream.linear.scatter [tilespmem:s25], [sflag:$0x5], $0x8000, $0x38;
	[tilespmem:$0x1E400] =	vst v63  }
0x242: {  	_ =	swait.ge [sflag:s17], $0x8000  }
0x243: {  	[sflag:s17] =	ssyncset.done $0x0  }
0x244: {  	[sflag:s17] =	ssyncadd.s32 $0xFFFF8000  }
0x245: {  	v3 =	vld [tilespmem:$0x6380];
	_ =	sdelay $0x4  }
0x246: {  	v56 =	vshll.u32 v3, $0x1  }
0x247: {  	v3 =	vand.u32 $0x7, v3;
	v4 =	vand.u32 $0xFFFFFFF0, v56  }
0x248: {  	v3 =	vor.u32 v3, v4  }
0x249: {  	v4 =	vperm.xlane v3, v0;
	_ =	sdelay $0x1  }
0x24a: {  	v3 =	vperm.xlane v3, v2;
	v4 =	vadd.s32 v1, v4;
	_ =	sdelay $0x1  }
0x24b: {  	v3 =	vadd.s32 v1, v3;
	_ =	sdelay $0x2  }
0x24c: {  	[tilespmem:s0], [sflag:$0x1] =	stream.indirect_vreg.gather [hbm4b:s2+s3], $0x80, v4, vm0, $0xb8;
	[tilespmem:$0x1E400] =	vst v63  }
0x24d: {  	s22 =	simm.s32 $0x6C00  }
0x24e: {  	[tilespmem:s22], [sflag:$0x1] =	stream.indirect_vreg.gather [hbm4b:s2+s3], $0x80, v3, vm0, $0xb8;
	[tilespmem:$0x1E400] =	vst v63  }
0x24f: {  	v3 =	vld [tilespmem:$0x6390];
	_ =	sdelay $0x4  }
0x250: {  	v57 =	vshll.u32 v3, $0x1  }
0x251: {  	v3 =	vand.u32 $0x7, v3;
	v4 =	vand.u32 $0xFFFFFFF0, v57  }
0x252: {  	v3 =	vor.u32 v3, v4  }
0x253: {  	v4 =	vperm.xlane v3, v0;
	_ =	sdelay $0x1  }
0x254: {  	v3 =	vperm.xlane v3, v2;
	v4 =	vadd.s32 v1, v4;
	_ =	sdelay $0x1  }
0x255: {  	v3 =	vadd.s32 v1, v3;
	_ =	sdelay $0x1  }
0x256: {  	s0 =	simm.s32 $0x7400  }
0x257: {  	[tilespmem:s0], [sflag:$0x1] =	stream.indirect_vreg.gather [hbm4b:s2+s3], $0x80, v4, vm0, $0xb8;
	[tilespmem:$0x1E400] =	vst v63  }
0x258: {  	s4 =	simm.s32 $0x7C00  }
0x259: {  	[tilespmem:s4], [sflag:$0x1] =	stream.indirect_vreg.gather [hbm4b:s2+s3], $0x80, v3, vm0, $0xb8;
	[tilespmem:$0x1E400] =	vst v63  }
0x25a: {  	v3 =	vld [tilespmem:$0x63A0];
	_ =	sdelay $0x4  }
0x25b: {  	v58 =	vshll.u32 v3, $0x1  }
0x25c: {  	v3 =	vand.u32 $0x7, v3;
	v4 =	vand.u32 $0xFFFFFFF0, v58  }
0x25d: {  	v3 =	vor.u32 v3, v4  }
0x25e: {  	v4 =	vperm.xlane v3, v0;
	_ =	sdelay $0x1  }
0x25f: {  	v3 =	vperm.xlane v3, v2;
	v4 =	vadd.s32 v1, v4;
	_ =	sdelay $0x1  }
0x260: {  	v3 =	vadd.s32 v1, v3;
	_ =	sdelay $0x1  }
0x261: {  	s5 =	simm.s32 $0x8400  }
0x262: {  	[tilespmem:s5], [sflag:$0x1] =	stream.indirect_vreg.gather [hbm4b:s2+s3], $0x80, v4, vm0, $0xb8;
	[tilespmem:$0x1E400] =	vst v63  }
0x263: {  	s6 =	simm.s32 $0x8C00  }
0x264: {  	[tilespmem:s6], [sflag:$0x1] =	stream.indirect_vreg.gather [hbm4b:s2+s3], $0x80, v3, vm0, $0xb8;
	[tilespmem:$0x1E400] =	vst v63  }
0x265: {  	v3 =	vld [tilespmem:$0x63B0];
	_ =	sdelay $0x4  }
0x266: {  	v59 =	vshll.u32 v3, $0x1  }
0x267: {  	v3 =	vand.u32 $0x7, v3;
	v4 =	vand.u32 $0xFFFFFFF0, v59  }
0x268: {  	v3 =	vor.u32 v3, v4  }
0x269: {  	v4 =	vperm.xlane v3, v0;
	_ =	sdelay $0x1  }
0x26a: {  	v3 =	vperm.xlane v3, v2;
	v4 =	vadd.s32 v1, v4;
	_ =	sdelay $0x1  }
0x26b: {  	v3 =	vadd.s32 v1, v3;
	_ =	sdelay $0x1  }
0x26c: {  	s7 =	simm.s32 $0x9400  }
0x26d: {  	[tilespmem:s7], [sflag:$0x1] =	stream.indirect_vreg.gather [hbm4b:s2+s3], $0x80, v4, vm0, $0xb8;
	[tilespmem:$0x1E400] =	vst v63  }
0x26e: {  	s8 =	simm.s32 $0x9C00  }
0x26f: {  	[tilespmem:s8], [sflag:$0x1] =	stream.indirect_vreg.gather [hbm4b:s2+s3], $0x80, v3, vm0, $0xb8;
	[tilespmem:$0x1E400] =	vst v63  }
0x270: {  	v3 =	vld [tilespmem:$0x63C0];
	_ =	sdelay $0x4  }
0x271: {  	v60 =	vshll.u32 v3, $0x1  }
0x272: {  	v3 =	vand.u32 $0x7, v3;
	v4 =	vand.u32 $0xFFFFFFF0, v60  }
0x273: {  	v3 =	vor.u32 v3, v4  }
0x274: {  	v4 =	vperm.xlane v3, v0;
	_ =	sdelay $0x1  }
0x275: {  	v3 =	vperm.xlane v3, v2;
	v4 =	vadd.s32 v1, v4;
	_ =	sdelay $0x1  }
0x276: {  	v3 =	vadd.s32 v1, v3;
	_ =	sdelay $0x1  }
0x277: {  	s10 =	simm.s32 $0xA400  }
0x278: {  	[tilespmem:s10], [sflag:$0x1] =	stream.indirect_vreg.gather [hbm4b:s2+s3], $0x80, v4, vm0, $0xb8;
	[tilespmem:$0x1E400] =	vst v63  }
0x279: {  	s11 =	simm.s32 $0xAC00  }
0x27a: {  	[tilespmem:s11], [sflag:$0x1] =	stream.indirect_vreg.gather [hbm4b:s2+s3], $0x80, v3, vm0, $0xb8;
	[tilespmem:$0x1E400] =	vst v63  }
0x27b: {  	v3 =	vld [tilespmem:$0x63D0];
	_ =	sdelay $0x4  }
0x27c: {  	v61 =	vshll.u32 v3, $0x1  }
0x27d: {  	v3 =	vand.u32 $0x7, v3;
	v4 =	vand.u32 $0xFFFFFFF0, v61  }
0x27e: {  	v3 =	vor.u32 v3, v4  }
0x27f: {  	v4 =	vperm.xlane v3, v0;
	_ =	sdelay $0x1  }
0x280: {  	v3 =	vperm.xlane v3, v2;
	v4 =	vadd.s32 v1, v4;
	_ =	sdelay $0x1  }
0x281: {  	v3 =	vadd.s32 v1, v3;
	_ =	sdelay $0x1  }
0x282: {  	s12 =	simm.s32 $0xB400  }
0x283: {  	[tilespmem:s12], [sflag:$0x1] =	stream.indirect_vreg.gather [hbm4b:s2+s3], $0x80, v4, vm0, $0xb8;
	[tilespmem:$0x1E400] =	vst v63  }
0x284: {  	s13 =	simm.s32 $0xBC00  }
0x285: {  	[tilespmem:s13], [sflag:$0x1] =	stream.indirect_vreg.gather [hbm4b:s2+s3], $0x80, v3, vm0, $0xb8;
	[tilespmem:$0x1E400] =	vst v63  }
0x286: {  	v3 =	vld [tilespmem:$0x63E0];
	_ =	sdelay $0x4  }
0x287: {  	v62 =	vshll.u32 v3, $0x1  }
0x288: {  	v3 =	vand.u32 $0x7, v3;
	v4 =	vand.u32 $0xFFFFFFF0, v62  }
0x289: {  	v3 =	vor.u32 v3, v4  }
0x28a: {  	v4 =	vperm.xlane v3, v0;
	_ =	sdelay $0x1  }
0x28b: {  	v3 =	vperm.xlane v3, v2;
	v4 =	vadd.s32 v1, v4;
	_ =	sdelay $0x1  }
0x28c: {  	v3 =	vadd.s32 v1, v3;
	_ =	sdelay $0x1  }
0x28d: {  	s14 =	simm.s32 $0xC400  }
0x28e: {  	[tilespmem:s14], [sflag:$0x1] =	stream.indirect_vreg.gather [hbm4b:s2+s3], $0x80, v4, vm0, $0xb8;
	[tilespmem:$0x1E400] =	vst v63  }
0x28f: {  	s15 =	simm.s32 $0xCC00  }
0x290: {  	[tilespmem:s15], [sflag:$0x1] =	stream.indirect_vreg.gather [hbm4b:s2+s3], $0x80, v3, vm0, $0xb8;
	[tilespmem:$0x1E400] =	vst v63  }
0x291: {  	v3 =	vld [tilespmem:$0x63F0];
	_ =	sdelay $0x4  }
0x292: {  	v63 =	vshll.u32 v3, $0x1  }
0x293: {  	v3 =	vand.u32 $0x7, v3;
	v4 =	vand.u32 $0xFFFFFFF0, v63  }
0x294: {  	v3 =	vor.u32 v3, v4  }
0x295: {  	v4 =	vperm.xlane v3, v0;
	_ =	sdelay $0x1  }
0x296: {  	v3 =	vperm.xlane v3, v2;
	v4 =	vadd.s32 v1, v4;
	_ =	sdelay $0x1  }
0x297: {  	v3 =	vadd.s32 v1, v3;
	_ =	sdelay $0x1  }
0x298: {  	s19 =	simm.s32 $0xD400  }
0x299: {  	[tilespmem:s19], [sflag:$0x1] =	stream.indirect_vreg.gather [hbm4b:s2+s3], $0x80, v4, vm0, $0xb8;
	[tilespmem:$0x1E400] =	vst v63  }
0x29a: {  	s20 =	simm.s32 $0xDC00  }
0x29b: {  	[tilespmem:s20], [sflag:$0x1] =	stream.indirect_vreg.gather [hbm4b:s2+s3], $0x80, v3, vm0, $0xb8;
	[tilespmem:$0x1E400] =	vst v63  }
0x29c: {  	_ =	swait.ge [sflag:s18], $0x8000  }
0x29d: {  	[sflag:s18] =	ssyncset.done $0x0  }
0x29e: {  	[sflag:s18] =	ssyncadd.s32 $0xFFFF8000  }
0x29f: {  	_ =	swait.ge [sflag:s29], $0x8000  }
0x2a0: {  	[sflag:s29] =	ssyncset.done $0x0  }
0x2a1: {  	[sflag:s29] =	ssyncadd.s32 $0xFFFF8000  }
0x2a2: {  	_ =	swait.ge [sflag:s30], $0x8000  }
0x2a3: {  	s9 =	simm.s32 $0x6400;
	s21 =	rddreg [dreg:$0xb]  }
0x2a4: {  	s0 =	simm.s32 $0xF400;
	s22 =	rddreg [dreg:$0xa];
	s15 =	sadd.s32 $0x1, s21  }
0x2a5: {  	s4 =	simm.s32 $0x11400;
	s5 =	simm.s32 $0x12C00;
	p0 =	sne.s32 s15, s22  }
.Ltmp1:
0x2a6: {  	s6 =	simm.s32 $0x13C00;
	s7 =	simm.s32 $0x14C00;
	(pc) =	sbr.rel @p0 .LBB2_1-.Ltmp1, $4  }
0x2a7: {  	s8 =	simm.s32 $0x15C00;
	s10 =	simm.s32 $0x10400;
	s11 =	simm.s32 $0x12400  }
0x2a8: {  	s12 =	simm.s32 $0x13400;
	s13 =	simm.s32 $0x14400;
	s14 =	simm.s32 $0x15400  }
0x2a9: {  	s19 =	simm.s32 $0xEC00;
	s20 =	simm.s32 $0xFC00;
	[sflag:s30] =	ssyncset.done $0x0  }
0x2aa: {  	[sflag:s30] =	ssyncadd.s32 $0xFFFF8000;
	s21 =	simm.s32 $0x10C00;
	s22 =	simm.s32 $0x11C00  }
0x2ab: {  	_ =	sfence.sel $0x180000  }
0x2ac: {  	[bflag:$0x0] =	sbarrier.arrive $0xFFFF  }
0x2ad: {  	_ =	strace $0x90000047  }
0x2ae: {  	s0 =	stileid.u32;
	[bflag:$0x2] =	sbarrier.arrive $0xFFFF  }
0x2af: {  	p0 =	sne.s32 s0, $0x0;
	s0 =	rddreg [dreg:$0x3]  }
0x2b0: {  	s0 =	sadd.s32 @!p0 $0x100000, s0  }
0x2b1: {  	[sflag:s0] =	ssyncadd.tile.s32 @!p0 $0x1;
	_ =	shalt  }
.Lfunc_end2:
_tile_overlayer_lowered:
.L_overlay_start_2:
0x2b2: {  	(tag) =	ssettag $0x2  }
0x2b3: {  	s0 =	rddreg [dreg:$0x0];
	s2 =	stileid.u32  }
0x2b4: {  	s1 =	rddreg [dreg:$0x1];
	p0 =	sne.s32 s2, $0x0  }
0x2b5: {  	s3 =	rddreg [dreg:$0x2];
	[bflag:$0x3] =	sbarrier.arrive $0xFFFF;
	s2 =	simm.s32 @!p0 $0x1C07  }
0x2b6: {  	[timem:s3], [sflag:s2] =	dma.local @!p0 [hbm:s0], s1  }
0x2b7: {  	s0 =	simm.s32 @!p0 $0x7  }
0x2b8: {  	_ =	swait.ge @!p0 [sflag:s0], s1  }
0x2b9: {  	s1 =	ssub.s32 @!p0 $0x0, s1;
	[sflag:s0] =	ssyncset.done @!p0 $0x0  }
0x2ba: {  	[sflag:s0] =	ssyncadd.s32 @!p0 s1  }
0x2bb: {  	[bflag:$0x3] =	sbarrier.arrive $0xFFFF  }
0x2bc: {  	_ =	shalt  }

</sc_bundles>
